<compile_context>
chip_gen: v7x
topology: tpu7x:2x2x1
jax: 0.10.2.dev20260603
libtpu: 0.0.44.dev20260713+nightly
codegen_flags: <defaults>
</compile_context>

<pallas_src>
import functools

import jax
import jax.numpy as jnp
from jax import lax
from jax.experimental import pallas as pl
from jax.experimental.pallas import tpu as pltpu
from jax.experimental.pallas import tpu_sc as plsc

N_NODES = 10000
N_EDGES = 320000

NC = 2
NS = 16
NW = NC * NS
CH = 128

RPW = ((N_EDGES + NW * CH - 1) // (NW * CH) + 7) // 8 * 8
R_EDGE = RPW * NW
SEGS = 2
SEG_ROWS = RPW // SEGS
E_PAD = R_EDGE * CH

N_PAD = 10240
SLICE = N_PAD // NS
TRASH = N_NODES
F = 128

_mesh = plsc.VectorSubcoreMesh(core_axis_name="c", subcore_axis_name="s",
                               num_cores=NC, num_subcores=NS)


def _sc_degree(dst2d, ones_hbm, zeros_hbm):

    @functools.partial(
        pl.kernel,
        out_type=jax.ShapeDtypeStruct((NC * N_PAD,), jnp.float32),
        mesh=_mesh,
        scratch_types=[
            pltpu.VMEM((RPW, CH), jnp.int32),
            pltpu.VMEM((CH,), jnp.float32),
            pltpu.VMEM_SHARED((N_PAD,), jnp.float32),
            pltpu.SemaphoreType.DMA,
        ],
    )
    def k(dst_hbm, ones_h, zeros_h, out_hbm, idx_v, ones_v, acc_s, sem):
        c = lax.axis_index("c")
        s = lax.axis_index("s")
        w = s * NC + c
        pltpu.sync_copy(zeros_h.at[pl.ds(s * SLICE, SLICE)],
                        acc_s.at[pl.ds(s * SLICE, SLICE)])
        pltpu.sync_copy(ones_h, ones_v)
        pltpu.sync_copy(dst_hbm.at[pl.ds(w * RPW, RPW)], idx_v)
        plsc.subcore_barrier()

        GRP = 16

        @pl.loop(0, RPW, step=GRP)
        def _(j0):
            @pl.loop(0, GRP)
            def _(i):
                pltpu.async_copy(ones_v, acc_s.at[idx_v.at[j0 + i]], sem,
                                 add=True)

            @pl.loop(0, GRP)
            def _(i):
                pltpu.make_async_copy(ones_v, acc_s.at[idx_v.at[0]],
                                      sem).wait()

        plsc.subcore_barrier()
        pltpu.sync_copy(acc_s.at[pl.ds(s * SLICE, SLICE)],
                        out_hbm.at[pl.ds(c * N_PAD + s * SLICE, SLICE)])

    return k(dst2d, ones_hbm, zeros_hbm)


def _sc_aggregate(g, src2d, dst2d, fw=F, tc_tiling=True):
    cp = pltpu.CompilerParams(use_tc_tiling_on_sc=tc_tiling)
    nbuf = 2 if fw == F else 4
    segs = SEGS if fw == F else 1
    seg_rows = RPW // segs
    assert seg_rows % nbuf == 0

    @functools.partial(
        pl.kernel,
        out_type=jax.ShapeDtypeStruct((NC, N_PAD, F), jnp.float32),
        mesh=_mesh,
        compiler_params=cp,
        scratch_types=(
            [pltpu.VMEM((seg_rows, CH), jnp.int32)] * 2
            + [pltpu.VMEM((CH, fw), jnp.float32)] * nbuf
            + [pltpu.VMEM_SHARED((N_PAD, fw), jnp.float32)]
            + [pltpu.SemaphoreType.DMA] * nbuf
        ),
    )
    def k(g_hbm, src_hbm, dst_hbm, out_hbm, isrc_v, idst_v, *rest):
        bufs = rest[:nbuf]
        acc_s = rest[nbuf]
        sems = rest[nbuf + 1:]
        c = lax.axis_index("c")
        s = lax.axis_index("s")
        w = s * NC + c

        zv = jnp.zeros((16,), jnp.float32)

        @pl.loop(0, CH)
        def _(r):
            @pl.loop(0, fw, step=16)
            def _(cc):
                bufs[0][r, pl.ds(cc, 16)] = zv

        @pl.loop(0, SLICE, step=CH)
        def _(r0):
            pltpu.sync_copy(bufs[0], acc_s.at[pl.ds(s * SLICE + r0, CH)])

        plsc.subcore_barrier()

        for seg in range(segs):
            base = w * RPW + seg * seg_rows
            pltpu.sync_copy(src_hbm.at[pl.ds(base, seg_rows)], isrc_v)
            pltpu.sync_copy(dst_hbm.at[pl.ds(base, seg_rows)], idst_v)

            for b in range(nbuf):
                pltpu.async_copy(g_hbm.at[isrc_v.at[b]], bufs[b], sems[b])

            @pl.loop(0, seg_rows, step=nbuf)
            def _(j):
                for b in range(nbuf):
                    pltpu.make_async_copy(g_hbm.at[isrc_v.at[0]],
                                          bufs[b], sems[b]).wait()
                    pltpu.sync_copy(bufs[b], acc_s.at[idst_v.at[j + b]],
                                    add=True)

                    @pl.when(j + b + nbuf < seg_rows)
                    def _():
                        pltpu.async_copy(g_hbm.at[isrc_v.at[j + b + nbuf]],
                                         bufs[b], sems[b])

        plsc.subcore_barrier()
        pltpu.sync_copy(acc_s.at[pl.ds(s * SLICE, SLICE)],
                        out_hbm.at[c, pl.ds(s * SLICE, SLICE), pl.ds(0, fw)])

    return k(g, src2d, dst2d)


_BLK = 2048
_BLKF = 2000

R_REAL = N_EDGES // CH


def _tc_edges(ei3, n):

    def body(s_ref, d_ref, src_ref, dst_ref):
        src_ref[:R_REAL] = s_ref[0]
        dst_ref[:R_REAL] = d_ref[0]
        flat = (lax.broadcasted_iota(jnp.int32, (R_EDGE - R_REAL, CH), 0) * CH
                + lax.broadcasted_iota(jnp.int32, (R_EDGE - R_REAL, CH), 1))
        src_ref[R_REAL:] = flat % n
        dst_ref[R_REAL:] = TRASH + flat % (N_PAD - N_NODES)

    part = lambda cidx: pl.BlockSpec((1, R_REAL, CH),
                                     lambda i, c=cidx: (c, 0, 0))
    return pl.pallas_call(
        body,
        grid=(1,),
        in_specs=[part(0), part(1)],
        out_specs=[
            pl.BlockSpec((R_EDGE, CH), lambda i: (0, 0)),
            pl.BlockSpec((R_EDGE, CH), lambda i: (0, 0)),
        ],
        out_shape=[
            jax.ShapeDtypeStruct((R_EDGE, CH), jnp.int32),
            jax.ShapeDtypeStruct((R_EDGE, CH), jnp.int32),
        ],
    )(ei3, ei3)


def _tc_matmul(x, W1):

    def body(x_ref, w_ref, h_ref):
        h_ref[...] = jnp.dot(x_ref[...], w_ref[...],
                             preferred_element_type=jnp.float32,
                             precision=lax.Precision.HIGHEST)

    n, f = x.shape
    fo = W1.shape[1]
    return pl.pallas_call(
        body,
        grid=(n // _BLK,),
        in_specs=[
            pl.BlockSpec((_BLK, f), lambda i: (i, 0)),
            pl.BlockSpec((f, fo), lambda i: (0, 0)),
        ],
        out_specs=pl.BlockSpec((_BLK, fo), lambda i: (i, 0)),
        out_shape=jax.ShapeDtypeStruct((n, fo), jnp.float32),
    )(x, W1)


def _tc_scale(h, deg_flat):

    def body(h_ref, p0_ref, p1_ref, g_ref, dinv_ref):
        deg = p0_ref[...] + p1_ref[...] + 1.0
        dinv = lax.rsqrt(deg).reshape(_BLK, 1)
        g_ref[...] = h_ref[...] * dinv
        dinv_ref[...] = dinv

    n, f = h.shape
    part = lambda cidx: pl.BlockSpec((_BLK,),
                                     lambda i, c=cidx: (c * (N_PAD // _BLK) + i,))
    assert N_PAD % _BLK == 0
    return pl.pallas_call(
        body,
        grid=(n // _BLK,),
        in_specs=[
            pl.BlockSpec((_BLK, f), lambda i: (i, 0)),
            part(0),
            part(1),
        ],
        out_specs=[
            pl.BlockSpec((_BLK, f), lambda i: (i, 0)),
            pl.BlockSpec((_BLK, 1), lambda i: (i, 0)),
        ],
        out_shape=[
            jax.ShapeDtypeStruct((n, f), jnp.float32),
            jax.ShapeDtypeStruct((n, 1), jnp.float32),
        ],
    )(h, deg_flat, deg_flat)


def _tc_layer2(acc1, g1, dinv, b1, W2p):

    def body(a0_ref, a1_ref, g1_ref, dinv_ref, b1_ref, w_ref, out_ref):
        dinv = dinv_ref[...]
        pre = (a0_ref[0] + a1_ref[0] + g1_ref[...]) * dinv + b1_ref[...]
        h = jnp.maximum(pre, 0.0)
        out_ref[...] = jnp.dot(h, w_ref[...],
                               preferred_element_type=jnp.float32,
                               precision=lax.Precision.HIGHEST) * dinv

    n, f = g1.shape
    fo = W2p.shape[1]
    part = lambda cidx: pl.BlockSpec((1, _BLK, f), lambda i, c=cidx: (c, i, 0))
    return pl.pallas_call(
        body,
        grid=(n // _BLK,),
        in_specs=[
            part(0),
            part(1),
            pl.BlockSpec((_BLK, f), lambda i: (i, 0)),
            pl.BlockSpec((_BLK, 1), lambda i: (i, 0)),
            pl.BlockSpec((1, f), lambda i: (0, 0)),
            pl.BlockSpec((f, fo), lambda i: (0, 0)),
        ],
        out_specs=pl.BlockSpec((_BLK, fo), lambda i: (i, 0)),
        out_shape=jax.ShapeDtypeStruct((n, fo), jnp.float32),
    )(acc1, acc1, g1, dinv, b1, W2p)


def _tc_final(acc2, g2, dinv, b2, fo):

    def body(a0_ref, a1_ref, g2_ref, dinv_ref, b2_ref, out_ref):
        s = (a0_ref[0] + a1_ref[0])[:, :fo] + g2_ref[...]
        out_ref[...] = s * dinv_ref[...] + b2_ref[...]

    part = lambda cidx: pl.BlockSpec((1, _BLKF, F), lambda i, c=cidx: (c, i, 0))
    return pl.pallas_call(
        body,
        grid=(N_NODES // _BLKF,),
        in_specs=[
            part(0),
            part(1),
            pl.BlockSpec((_BLKF, fo), lambda i: (i, 0)),
            pl.BlockSpec((_BLKF, 1), lambda i: (i, 0)),
            pl.BlockSpec((1, fo), lambda i: (0, 0)),
        ],
        out_specs=pl.BlockSpec((_BLKF, fo), lambda i: (i, 0)),
        out_shape=jax.ShapeDtypeStruct((N_NODES, fo), jnp.float32),
    )(acc2, acc2, g2, dinv, b2)


def kernel(x, edge_index, W1, b1, W2, b2):
    n = x.shape[0]
    f1 = W1.shape[1]
    f2 = W2.shape[1]

    ei3 = edge_index.astype(jnp.int32).reshape(2, R_REAL, CH)
    src2d, dst2d = _tc_edges(ei3, n)

    ones_hbm = jnp.ones((CH,), jnp.float32)
    zdeg = jnp.zeros((N_PAD,), jnp.float32)

    deg_flat = _sc_degree(dst2d, ones_hbm, zdeg)

    xp = jnp.pad(x, ((0, N_PAD - n), (0, 0)))
    h1 = _tc_matmul(xp, W1)
    g1, dinv = _tc_scale(h1, deg_flat)

    acc1 = _sc_aggregate(g1, src2d, dst2d)
    g2 = _tc_layer2(acc1, g1, dinv, b1.reshape(1, f1), W2)

    acc2 = _sc_aggregate(g2, src2d, dst2d, fw=f2, tc_tiling=False)
    out = _tc_final(acc2, g2, dinv, b2.reshape(1, f2), f2)
    return out

# --- scband reference (transcript-rebuilt; emitter-appended) ---
"""Pipeline reference for scband-gcn-41626823032948 (READ-ONLY COPY).

The authoritative reference and input builder live on the scoring server;
editing this copy changes nothing except your own understanding.
"""

import jax, jax.numpy as jnp
import numpy as np

N_NODES = 10000
N_EDGES = 320000


def gcn_conv(x, edge_index, W, b):
    n = x.shape[0]
    src = edge_index[0]
    dst = edge_index[1]
    # add self loops (PyG GCNConv default add_self_loops=True)
    loop = jnp.arange(n, dtype=edge_index.dtype)
    src = jnp.concatenate([src, loop])
    dst = jnp.concatenate([dst, loop])
    # linear transform (lin has no bias in GCNConv; bias added after aggregation)
    h = x @ W
    # symmetric normalization deg^{-1/2} A_hat deg^{-1/2}
    deg = jnp.zeros((n,), dtype=x.dtype).at[dst].add(1.0)
    dinv = jnp.where(deg > 0, 1.0 / jnp.sqrt(deg), 0.0)
    norm = dinv[src] * dinv[dst]
    msg = h[src] * norm[:, None]
    out = jnp.zeros((n, h.shape[1]), dtype=x.dtype).at[dst].add(msg)
    return out + b


def setup_inputs(seed: int = 0) -> dict:
    key = jax.random.key(seed)
    k1, k2, k3, k4, k5, k6 = jax.random.split(key, 6)
    x = jax.random.normal(k1, (N_NODES, 128), dtype=jnp.float32)
    edge_index = jax.random.randint(k2, (2, N_EDGES), 0, N_NODES, dtype=jnp.int64)
    W1 = jax.random.normal(k3, (128, 128), dtype=jnp.float32) * (1.0 / np.sqrt(128))
    b1 = jnp.zeros((128,), dtype=jnp.float32)
    W2 = jax.random.normal(k4, (128, 64), dtype=jnp.float32) * (1.0 / np.sqrt(128))
    b2 = jnp.zeros((64,), dtype=jnp.float32)
    return {"x": x, "edge_index": edge_index, "W1": W1, "b1": b1, "W2": W2, "b2": b2}


def reference(x, edge_index, W1, b1, W2, b2):
    h = gcn_conv(x, edge_index, W1, b1)
    h = jax.nn.relu(h)
    out = gcn_conv(h, edge_index, W2, b2)
    return out

if __name__ == "__main__":
    import jax
    _d = setup_inputs()
    print(jax.jit(kernel)(*tuple(_d.values())))

</pallas_src>

<mosaic_0001>
#map = affine_map<(d0, d1) -> (0, 0)>
#map1 = affine_map<(d0, d1) -> (0, 0, 0)>
module attributes {stable_mosaic.version = 14 : i64} {
  func.func @k(%arg0: i32, %arg1: i32, %arg2: memref<10240x64xf32, #tpu.memory_space<hbm>>, %arg3: memref<2560x128xi32, #tpu.memory_space<hbm>>, %arg4: memref<2560x128xi32, #tpu.memory_space<hbm>>, %arg5: memref<2x10240x128xf32, #tpu.memory_space<hbm>>, %arg6: memref<80x128xi32, #tpu.memory_space<vmem>>, %arg7: memref<80x128xi32, #tpu.memory_space<vmem>>, %arg8: memref<128x64xf32, #tpu.memory_space<vmem>>, %arg9: memref<128x64xf32, #tpu.memory_space<vmem>>, %arg10: memref<128x64xf32, #tpu.memory_space<vmem>>, %arg11: memref<128x64xf32, #tpu.memory_space<vmem>>, %arg12: memref<10240x64xf32, #tpu.memory_space<vmem_shared>>, %arg13: memref<!tpu.dma_semaphore, #tpu.memory_space<semaphore_mem>>, %arg14: memref<!tpu.dma_semaphore, #tpu.memory_space<semaphore_mem>>, %arg15: memref<!tpu.dma_semaphore, #tpu.memory_space<semaphore_mem>>, %arg16: memref<!tpu.dma_semaphore, #tpu.memory_space<semaphore_mem>>) attributes {dimension_semantics = [#tpu.dimension_semantics<core_parallel>, #tpu.dimension_semantics<subcore_parallel>], iteration_bounds = array<i64: 2, 16>, scalar_prefetch = 0 : i64, scratch_operands = 11 : i64, tpu.core_type = #tpu.core_type<sc_vector_subcore>, window_params = [{transform_indices = #map}, {transform_indices = #map}, {transform_indices = #map}, {transform_indices = #map1}]} {
    %mul3A = arith.constant 2 : i32
    %mul3A_0 = arith.muli %arg1, %mul3A : i32
    %add3A = arith.addi %mul3A_0, %arg0 : i32
    %broadcast_in_dim3A = arith.constant 0.000000e+00 : f32
    %broadcast_in_dim3A_1 = vector.broadcast %broadcast_in_dim3A : f32 to vector<16xf32>
    %scan3A = arith.constant 0 : i32
    %scan3A_2 = arith.constant 128 : i32
    %scan3A_3 = arith.addi %scan3A, %scan3A_2 : i32
    %scan3A_4 = arith.constant 1 : i32
    scf.for %scan3A_52 = %scan3A to %scan3A_3 step %scan3A_4  : i32 {
      %mul3A_53 = arith.constant 1 : i32
      %mul3A_54 = arith.muli %scan3A_52, %mul3A_53 : i32
      %add3A_55 = arith.constant 0 : i32
      %add3A_56 = arith.addi %add3A_55, %mul3A_54 : i32
      %scan3A_57 = arith.constant 0 : i32
      %scan3A_58 = arith.constant 4 : i32
      %scan3A_59 = arith.addi %scan3A_57, %scan3A_58 : i32
      %scan3A_60 = arith.constant 1 : i32
      scf.for %scan3A_62 = %scan3A_57 to %scan3A_59 step %scan3A_60  : i32 {
        %mul3A_63 = arith.constant 16 : i32
        %mul3A_64 = arith.muli %scan3A_62, %mul3A_63 : i32
        %add3A_65 = arith.constant 0 : i32
        %add3A_66 = arith.addi %add3A_65, %mul3A_64 : i32
        %swap3A = arith.index_cast %add3A_56 : i32 to index
        %swap3A_67 = arith.index_cast %add3A_66 : i32 to index
        %swap3A_68 = tpu.vector_load %arg8[%swap3A, %swap3A_67] {strides = array<i32>} : memref<128x64xf32, #tpu.memory_space<vmem>>, vector<1x16xf32>,
        %swap3A_69 = vector.shape_cast %swap3A_68 : vector<1x16xf32> to vector<16xf32>
        %swap3A_70 = vector.shape_cast %broadcast_in_dim3A_1 : vector<16xf32> to vector<1x16xf32>
        tpu.vector_store %arg8[%swap3A, %swap3A_67], %swap3A_70 {strides = array<i32>} : memref<128x64xf32, #tpu.memory_space<vmem>>, vector<1x16xf32>,
      }
      %scan3A_61 = arith.constant 4 : i32
    }
    %scan3A_5 = arith.constant 128 : i32
    %scan3A_6 = arith.constant 0 : i32
    %scan3A_7 = arith.constant 5 : i32
    %scan3A_8 = arith.addi %scan3A_6, %scan3A_7 : i32
    %scan3A_9 = arith.constant 1 : i32
    scf.for %scan3A_52 = %scan3A_6 to %scan3A_8 step %scan3A_9  : i32 {
      %mul3A_53 = arith.constant 128 : i32
      %mul3A_54 = arith.muli %scan3A_52, %mul3A_53 : i32
      %add3A_55 = arith.constant 0 : i32
      %add3A_56 = arith.addi %add3A_55, %mul3A_54 : i32
      %mul3A_57 = arith.constant 640 : i32
      %mul3A_58 = arith.muli %arg1, %mul3A_57 : i32
      %add3A_59 = arith.addi %mul3A_58, %add3A_56 : i32
      "tpu.region"() ({
        %run_scoped3A = tpu.sem_alloc : memref<!tpu.dma_semaphore, #tpu.memory_space<semaphore_mem>>
        %dma_start3A_60 = arith.constant 0 : i32
        %dma_start3A_61 = tpu.memref_slice %arg12[%add3A_59, %dma_start3A_60] : memref<10240x64xf32, #tpu.memory_space<vmem_shared>> -> memref<128x64xf32, #tpu.memory_space<vmem_shared>>
        %dma_start3A_62 = arith.constant 0 : i32
        %dma_start3A_63 = tpu.memref_slice %arg12[%add3A_59, %dma_start3A_62] : memref<10240x64xf32, #tpu.memory_space<vmem_shared>> -> memref<128x64xf32, #tpu.memory_space<vmem_shared>>
        tpu.enqueue_dma source(%arg8 : memref<128x64xf32, #tpu.memory_space<vmem>>) target(%dma_start3A_63 : memref<128x64xf32, #tpu.memory_space<vmem_shared>>) target_semaphore(%run_scoped3A : memref<!tpu.dma_semaphore, #tpu.memory_space<semaphore_mem>>)
        %dma_wait3A = arith.constant 0 : i32
        %dma_wait3A_64 = tpu.memref_slice %arg12[%add3A_59, %dma_wait3A] : memref<10240x64xf32, #tpu.memory_space<vmem_shared>> -> memref<128x64xf32, #tpu.memory_space<vmem_shared>>
        %dma_wait3A_65 = arith.constant 0 : i32
        %dma_wait3A_66 = tpu.memref_slice %arg12[%add3A_59, %dma_wait3A_65] : memref<10240x64xf32, #tpu.memory_space<vmem_shared>> -> memref<128x64xf32, #tpu.memory_space<vmem_shared>>
        tpu.wait_dma2 semaphore(%run_scoped3A : memref<!tpu.dma_semaphore, #tpu.memory_space<semaphore_mem>>) src(%arg8 : memref<128x64xf32, #tpu.memory_space<vmem>>) dst(%dma_wait3A_66 : memref<128x64xf32, #tpu.memory_space<vmem_shared>>)
        tpu.yield
      }) : () -> ()
    }
    %scan3A_10 = arith.constant 5 : i32
    %barrier3A = arith.constant 0 : index
    tpu.barrier barrier_id(%barrier3A)
    %mul3A_11 = arith.constant 80 : i32
    %mul3A_12 = arith.muli %add3A, %mul3A_11 : i32
    %add3A_13 = arith.constant 0 : i32
    %add3A_14 = arith.addi %mul3A_12, %add3A_13 : i32
    "tpu.region"() ({
      %run_scoped3A = tpu.sem_alloc : memref<!tpu.dma_semaphore, #tpu.memory_space<semaphore_mem>>
      %dma_start3A_52 = arith.constant 0 : i32
      %dma_start3A_53 = tpu.memref_slice %arg3[%add3A_14, %dma_start3A_52] : memref<2560x128xi32, #tpu.memory_space<hbm>> -> memref<80x128xi32, #tpu.memory_space<hbm>>
      %dma_start3A_54 = arith.constant 0 : i32
      %dma_start3A_55 = tpu.memref_slice %arg3[%add3A_14, %dma_start3A_54] : memref<2560x128xi32, #tpu.memory_space<hbm>> -> memref<80x128xi32, #tpu.memory_space<hbm>>
      tpu.enqueue_dma source(%dma_start3A_55 : memref<80x128xi32, #tpu.memory_space<hbm>>) target(%arg6 : memref<80x128xi32, #tpu.memory_space<vmem>>) target_semaphore(%run_scoped3A : memref<!tpu.dma_semaphore, #tpu.memory_space<semaphore_mem>>)
      %dma_wait3A = arith.constant 0 : i32
      %dma_wait3A_56 = tpu.memref_slice %arg3[%add3A_14, %dma_wait3A] : memref<2560x128xi32, #tpu.memory_space<hbm>> -> memref<80x128xi32, #tpu.memory_space<hbm>>
      %dma_wait3A_57 = arith.constant 0 : i32
      %dma_wait3A_58 = tpu.memref_slice %arg3[%add3A_14, %dma_wait3A_57] : memref<2560x128xi32, #tpu.memory_space<hbm>> -> memref<80x128xi32, #tpu.memory_space<hbm>>
      tpu.wait_dma2 semaphore(%run_scoped3A : memref<!tpu.dma_semaphore, #tpu.memory_space<semaphore_mem>>) src(%dma_wait3A_58 : memref<80x128xi32, #tpu.memory_space<hbm>>) dst(%arg6 : memref<80x128xi32, #tpu.memory_space<vmem>>)
      tpu.yield
    }) : () -> ()
    "tpu.region"() ({
      %run_scoped3A = tpu.sem_alloc : memref<!tpu.dma_semaphore, #tpu.memory_space<semaphore_mem>>
      %dma_start3A_52 = arith.constant 0 : i32
      %dma_start3A_53 = tpu.memref_slice %arg4[%add3A_14, %dma_start3A_52] : memref<2560x128xi32, #tpu.memory_space<hbm>> -> memref<80x128xi32, #tpu.memory_space<hbm>>
      %dma_start3A_54 = arith.constant 0 : i32
      %dma_start3A_55 = tpu.memref_slice %arg4[%add3A_14, %dma_start3A_54] : memref<2560x128xi32, #tpu.memory_space<hbm>> -> memref<80x128xi32, #tpu.memory_space<hbm>>
      tpu.enqueue_dma source(%dma_start3A_55 : memref<80x128xi32, #tpu.memory_space<hbm>>) target(%arg7 : memref<80x128xi32, #tpu.memory_space<vmem>>) target_semaphore(%run_scoped3A : memref<!tpu.dma_semaphore, #tpu.memory_space<semaphore_mem>>)
      %dma_wait3A = arith.constant 0 : i32
      %dma_wait3A_56 = tpu.memref_slice %arg4[%add3A_14, %dma_wait3A] : memref<2560x128xi32, #tpu.memory_space<hbm>> -> memref<80x128xi32, #tpu.memory_space<hbm>>
      %dma_wait3A_57 = arith.constant 0 : i32
      %dma_wait3A_58 = tpu.memref_slice %arg4[%add3A_14, %dma_wait3A_57] : memref<2560x128xi32, #tpu.memory_space<hbm>> -> memref<80x128xi32, #tpu.memory_space<hbm>>
      tpu.wait_dma2 semaphore(%run_scoped3A : memref<!tpu.dma_semaphore, #tpu.memory_space<semaphore_mem>>) src(%dma_wait3A_58 : memref<80x128xi32, #tpu.memory_space<hbm>>) dst(%arg7 : memref<80x128xi32, #tpu.memory_space<vmem>>)
      tpu.yield
    }) : () -> ()
    %dma_start3A = arith.constant 0 : i32
    %dma_start3A_15 = arith.constant 0 : i32
    %dma_start3A_16 = tpu.memref_slice %arg6[%dma_start3A, %dma_start3A_15] : memref<80x128xi32, #tpu.memory_space<vmem>> -> memref<1x128xi32, #tpu.memory_space<vmem>>
    %dma_start3A_17 = tpu.memref_squeeze %dma_start3A_16 : memref<1x128xi32, #tpu.memory_space<vmem>> -> memref<128xi32, #tpu.memory_space<vmem>>
    %dma_start3A_18 = arith.constant 0 : i32
    %dma_start3A_19 = arith.constant 0 : i32
    %dma_start3A_20 = tpu.memref_slice %arg2[%dma_start3A_18, %dma_start3A_19] : memref<10240x64xf32, #tpu.memory_space<hbm>> -> memref<10240x64xf32, #tpu.memory_space<hbm>>
    tpu.enqueue_indirect_dma source(%dma_start3A_20 : memref<10240x64xf32, #tpu.memory_space<hbm>>) target(%arg8 : memref<128x64xf32, #tpu.memory_space<vmem>>) offsets(%dma_start3A_17 : memref<128xi32, #tpu.memory_space<vmem>>) semaphore(%arg13 : memref<!tpu.dma_semaphore, #tpu.memory_space<semaphore_mem>>)
    %dma_start3A_21 = arith.constant 1 : i32
    %dma_start3A_22 = arith.constant 0 : i32
    %dma_start3A_23 = tpu.memref_slice %arg6[%dma_start3A_21, %dma_start3A_22] : memref<80x128xi32, #tpu.memory_space<vmem>> -> memref<1x128xi32, #tpu.memory_space<vmem>>
    %dma_start3A_24 = tpu.memref_squeeze %dma_start3A_23 : memref<1x128xi32, #tpu.memory_space<vmem>> -> memref<128xi32, #tpu.memory_space<vmem>>
    %dma_start3A_25 = arith.constant 0 : i32
    %dma_start3A_26 = arith.constant 0 : i32
    %dma_start3A_27 = tpu.memref_slice %arg2[%dma_start3A_25, %dma_start3A_26] : memref<10240x64xf32, #tpu.memory_space<hbm>> -> memref<10240x64xf32, #tpu.memory_space<hbm>>
    tpu.enqueue_indirect_dma source(%dma_start3A_27 : memref<10240x64xf32, #tpu.memory_space<hbm>>) target(%arg9 : memref<128x64xf32, #tpu.memory_space<vmem>>) offsets(%dma_start3A_24 : memref<128xi32, #tpu.memory_space<vmem>>) semaphore(%arg14 : memref<!tpu.dma_semaphore, #tpu.memory_space<semaphore_mem>>)
    %dma_start3A_28 = arith.constant 2 : i32
    %dma_start3A_29 = arith.constant 0 : i32
    %dma_start3A_30 = tpu.memref_slice %arg6[%dma_start3A_28, %dma_start3A_29] : memref<80x128xi32, #tpu.memory_space<vmem>> -> memref<1x128xi32, #tpu.memory_space<vmem>>
    %dma_start3A_31 = tpu.memref_squeeze %dma_start3A_30 : memref<1x128xi32, #tpu.memory_space<vmem>> -> memref<128xi32, #tpu.memory_space<vmem>>
    %dma_start3A_32 = arith.constant 0 : i32
    %dma_start3A_33 = arith.constant 0 : i32
    %dma_start3A_34 = tpu.memref_slice %arg2[%dma_start3A_32, %dma_start3A_33] : memref<10240x64xf32, #tpu.memory_space<hbm>> -> memref<10240x64xf32, #tpu.memory_space<hbm>>
    tpu.enqueue_indirect_dma source(%dma_start3A_34 : memref<10240x64xf32, #tpu.memory_space<hbm>>) target(%arg10 : memref<128x64xf32, #tpu.memory_space<vmem>>) offsets(%dma_start3A_31 : memref<128xi32, #tpu.memory_space<vmem>>) semaphore(%arg15 : memref<!tpu.dma_semaphore, #tpu.memory_space<semaphore_mem>>)
    %dma_start3A_35 = arith.constant 3 : i32
    %dma_start3A_36 = arith.constant 0 : i32
    %dma_start3A_37 = tpu.memref_slice %arg6[%dma_start3A_35, %dma_start3A_36] : memref<80x128xi32, #tpu.memory_space<vmem>> -> memref<1x128xi32, #tpu.memory_space<vmem>>
    %dma_start3A_38 = tpu.memref_squeeze %dma_start3A_37 : memref<1x128xi32, #tpu.memory_space<vmem>> -> memref<128xi32, #tpu.memory_space<vmem>>
    %dma_start3A_39 = arith.constant 0 : i32
    %dma_start3A_40 = arith.constant 0 : i32
    %dma_start3A_41 = tpu.memref_slice %arg2[%dma_start3A_39, %dma_start3A_40] : memref<10240x64xf32, #tpu.memory_space<hbm>> -> memref<10240x64xf32, #tpu.memory_space<hbm>>
    tpu.enqueue_indirect_dma source(%dma_start3A_41 : memref<10240x64xf32, #tpu.memory_space<hbm>>) target(%arg11 : memref<128x64xf32, #tpu.memory_space<vmem>>) offsets(%dma_start3A_38 : memref<128xi32, #tpu.memory_space<vmem>>) semaphore(%arg16 : memref<!tpu.dma_semaphore, #tpu.memory_space<semaphore_mem>>)
    %scan3A_42 = arith.constant 0 : i32
    %scan3A_43 = arith.constant 20 : i32
    %scan3A_44 = arith.addi %scan3A_42, %scan3A_43 : i32
    %scan3A_45 = arith.constant 1 : i32
    scf.for %scan3A_52 = %scan3A_42 to %scan3A_44 step %scan3A_45  : i32 {
      %mul3A_53 = arith.constant 4 : i32
      %mul3A_54 = arith.muli %scan3A_52, %mul3A_53 : i32
      %add3A_55 = arith.constant 0 : i32
      %add3A_56 = arith.addi %add3A_55, %mul3A_54 : i32
      %dma_wait3A = arith.constant 0 : i32
      %dma_wait3A_57 = arith.constant 0 : i32
      %dma_wait3A_58 = tpu.memref_slice %arg6[%dma_wait3A, %dma_wait3A_57] : memref<80x128xi32, #tpu.memory_space<vmem>> -> memref<1x128xi32, #tpu.memory_space<vmem>>
      %dma_wait3A_59 = tpu.memref_squeeze %dma_wait3A_58 : memref<1x128xi32, #tpu.memory_space<vmem>> -> memref<128xi32, #tpu.memory_space<vmem>>
      %dma_wait3A_60 = arith.constant 0 : i32
      %dma_wait3A_61 = arith.constant 0 : i32
      %dma_wait3A_62 = tpu.memref_slice %arg2[%dma_wait3A_60, %dma_wait3A_61] : memref<10240x64xf32, #tpu.memory_space<hbm>> -> memref<10240x64xf32, #tpu.memory_space<hbm>>
      tpu.wait_indirect_dma semaphore(%arg13 : memref<!tpu.dma_semaphore, #tpu.memory_space<semaphore_mem>>) src(%dma_wait3A_62 : memref<10240x64xf32, #tpu.memory_space<hbm>>) dst(%arg8 : memref<128x64xf32, #tpu.memory_space<vmem>>)
      %add3A_63 = arith.constant 0 : i32
      %add3A_64 = arith.addi %add3A_56, %add3A_63 : i32
      "tpu.region"() ({
        %run_scoped3A = tpu.sem_alloc : memref<!tpu.dma_semaphore, #tpu.memory_space<semaphore_mem>>
        %dma_start3A_125 = arith.constant 0 : i32
        %dma_start3A_126 = tpu.memref_slice %arg7[%add3A_64, %dma_start3A_125] : memref<80x128xi32, #tpu.memory_space<vmem>> -> memref<1x128xi32, #tpu.memory_space<vmem>>
        %dma_start3A_127 = tpu.memref_squeeze %dma_start3A_126 : memref<1x128xi32, #tpu.memory_space<vmem>> -> memref<128xi32, #tpu.memory_space<vmem>>
        %dma_start3A_128 = arith.constant 0 : i32
        %dma_start3A_129 = arith.constant 0 : i32
        %dma_start3A_130 = tpu.memref_slice %arg12[%dma_start3A_128, %dma_start3A_129] : memref<10240x64xf32, #tpu.memory_space<vmem_shared>> -> memref<10240x64xf32, #tpu.memory_space<vmem_shared>>
        tpu.enqueue_indirect_dma source(%arg8 : memref<128x64xf32, #tpu.memory_space<vmem>>) target(%dma_start3A_130 : memref<10240x64xf32, #tpu.memory_space<vmem_shared>>) offsets(%dma_start3A_127 : memref<128xi32, #tpu.memory_space<vmem>>) semaphore(%run_scoped3A : memref<!tpu.dma_semaphore, #tpu.memory_space<semaphore_mem>>) {add = true}
        %dma_wait3A_131 = arith.constant 0 : i32
        %dma_wait3A_132 = tpu.memref_slice %arg7[%add3A_64, %dma_wait3A_131] : memref<80x128xi32, #tpu.memory_space<vmem>> -> memref<1x128xi32, #tpu.memory_space<vmem>>
        %dma_wait3A_133 = tpu.memref_squeeze %dma_wait3A_132 : memref<1x128xi32, #tpu.memory_space<vmem>> -> memref<128xi32, #tpu.memory_space<vmem>>
        %dma_wait3A_134 = arith.constant 0 : i32
        %dma_wait3A_135 = arith.constant 0 : i32
        %dma_wait3A_136 = tpu.memref_slice %arg12[%dma_wait3A_134, %dma_wait3A_135] : memref<10240x64xf32, #tpu.memory_space<vmem_shared>> -> memref<10240x64xf32, #tpu.memory_space<vmem_shared>>
        tpu.wait_indirect_dma semaphore(%run_scoped3A : memref<!tpu.dma_semaphore, #tpu.memory_space<semaphore_mem>>) src(%arg8 : memref<128x64xf32, #tpu.memory_space<vmem>>) dst(%dma_wait3A_136 : memref<10240x64xf32, #tpu.memory_space<vmem_shared>>)
        tpu.yield
      }) : () -> ()
      %add3A_65 = arith.constant 0 : i32
      %add3A_66 = arith.addi %add3A_56, %add3A_65 : i32
      %add3A_67 = arith.constant 4 : i32
      %add3A_68 = arith.addi %add3A_66, %add3A_67 : i32
      %lt3A = arith.constant 80 : i32
      %lt3A_69 = arith.cmpi slt, %add3A_68, %lt3A : i32
      %convert_element_type3A = arith.extui %lt3A_69 : i1 to i32
      %cond3A = arith.constant 0 : i32
      %cond3A_70 = arith.cmpi ne, %convert_element_type3A, %cond3A : i32
      scf.if %cond3A_70 {
        %add3A_125 = arith.constant 0 : i32
        %add3A_126 = arith.addi %add3A_56, %add3A_125 : i32
        %add3A_127 = arith.constant 4 : i32
        %add3A_128 = arith.addi %add3A_126, %add3A_127 : i32
        %dma_start3A_129 = arith.constant 0 : i32
        %dma_start3A_130 = tpu.memref_slice %arg6[%add3A_128, %dma_start3A_129] : memref<80x128xi32, #tpu.memory_space<vmem>> -> memref<1x128xi32, #tpu.memory_space<vmem>>
        %dma_start3A_131 = tpu.memref_squeeze %dma_start3A_130 : memref<1x128xi32, #tpu.memory_space<vmem>> -> memref<128xi32, #tpu.memory_space<vmem>>
        %dma_start3A_132 = arith.constant 0 : i32
        %dma_start3A_133 = arith.constant 0 : i32
        %dma_start3A_134 = tpu.memref_slice %arg2[%dma_start3A_132, %dma_start3A_133] : memref<10240x64xf32, #tpu.memory_space<hbm>> -> memref<10240x64xf32, #tpu.memory_space<hbm>>
        tpu.enqueue_indirect_dma source(%dma_start3A_134 : memref<10240x64xf32, #tpu.memory_space<hbm>>) target(%arg8 : memref<128x64xf32, #tpu.memory_space<vmem>>) offsets(%dma_start3A_131 : memref<128xi32, #tpu.memory_space<vmem>>) semaphore(%arg13 : memref<!tpu.dma_semaphore, #tpu.memory_space<semaphore_mem>>)
      } else {
      }
      %dma_wait3A_71 = arith.constant 0 : i32
      %dma_wait3A_72 = arith.constant 0 : i32
      %dma_wait3A_73 = tpu.memref_slice %arg6[%dma_wait3A_71, %dma_wait3A_72] : memref<80x128xi32, #tpu.memory_space<vmem>> -> memref<1x128xi32, #tpu.memory_space<vmem>>
      %dma_wait3A_74 = tpu.memref_squeeze %dma_wait3A_73 : memref<1x128xi32, #tpu.memory_space<vmem>> -> memref<128xi32, #tpu.memory_space<vmem>>
      %dma_wait3A_75 = arith.constant 0 : i32
      %dma_wait3A_76 = arith.constant 0 : i32
      %dma_wait3A_77 = tpu.memref_slice %arg2[%dma_wait3A_75, %dma_wait3A_76] : memref<10240x64xf32, #tpu.memory_space<hbm>> -> memref<10240x64xf32, #tpu.memory_space<hbm>>
      tpu.wait_indirect_dma semaphore(%arg14 : memref<!tpu.dma_semaphore, #tpu.memory_space<semaphore_mem>>) src(%dma_wait3A_77 : memref<10240x64xf32, #tpu.memory_space<hbm>>) dst(%arg9 : memref<128x64xf32, #tpu.memory_space<vmem>>)
      %add3A_78 = arith.constant 1 : i32
      %add3A_79 = arith.addi %add3A_56, %add3A_78 : i32
      "tpu.region"() ({
        %run_scoped3A = tpu.sem_alloc : memref<!tpu.dma_semaphore, #tpu.memory_space<semaphore_mem>>
        %dma_start3A_125 = arith.constant 0 : i32
        %dma_start3A_126 = tpu.memref_slice %arg7[%add3A_79, %dma_start3A_125] : memref<80x128xi32, #tpu.memory_space<vmem>> -> memref<1x128xi32, #tpu.memory_space<vmem>>
        %dma_start3A_127 = tpu.memref_squeeze %dma_start3A_126 : memref<1x128xi32, #tpu.memory_space<vmem>> -> memref<128xi32, #tpu.memory_space<vmem>>
        %dma_start3A_128 = arith.constant 0 : i32
        %dma_start3A_129 = arith.constant 0 : i32
        %dma_start3A_130 = tpu.memref_slice %arg12[%dma_start3A_128, %dma_start3A_129] : memref<10240x64xf32, #tpu.memory_space<vmem_shared>> -> memref<10240x64xf32, #tpu.memory_space<vmem_shared>>
        tpu.enqueue_indirect_dma source(%arg9 : memref<128x64xf32, #tpu.memory_space<vmem>>) target(%dma_start3A_130 : memref<10240x64xf32, #tpu.memory_space<vmem_shared>>) offsets(%dma_start3A_127 : memref<128xi32, #tpu.memory_space<vmem>>) semaphore(%run_scoped3A : memref<!tpu.dma_semaphore, #tpu.memory_space<semaphore_mem>>) {add = true}
        %dma_wait3A_131 = arith.constant 0 : i32
        %dma_wait3A_132 = tpu.memref_slice %arg7[%add3A_79, %dma_wait3A_131] : memref<80x128xi32, #tpu.memory_space<vmem>> -> memref<1x128xi32, #tpu.memory_space<vmem>>
        %dma_wait3A_133 = tpu.memref_squeeze %dma_wait3A_132 : memref<1x128xi32, #tpu.memory_space<vmem>> -> memref<128xi32, #tpu.memory_space<vmem>>
        %dma_wait3A_134 = arith.constant 0 : i32
        %dma_wait3A_135 = arith.constant 0 : i32
        %dma_wait3A_136 = tpu.memref_slice %arg12[%dma_wait3A_134, %dma_wait3A_135] : memref<10240x64xf32, #tpu.memory_space<vmem_shared>> -> memref<10240x64xf32, #tpu.memory_space<vmem_shared>>
        tpu.wait_indirect_dma semaphore(%run_scoped3A : memref<!tpu.dma_semaphore, #tpu.memory_space<semaphore_mem>>) src(%arg9 : memref<128x64xf32, #tpu.memory_space<vmem>>) dst(%dma_wait3A_136 : memref<10240x64xf32, #tpu.memory_space<vmem_shared>>)
        tpu.yield
      }) : () -> ()
      %add3A_80 = arith.constant 1 : i32
      %add3A_81 = arith.addi %add3A_56, %add3A_80 : i32
      %add3A_82 = arith.constant 4 : i32
      %add3A_83 = arith.addi %add3A_81, %add3A_82 : i32
      %lt3A_84 = arith.constant 80 : i32
      %lt3A_85 = arith.cmpi slt, %add3A_83, %lt3A_84 : i32
      %convert_element_type3A_86 = arith.extui %lt3A_85 : i1 to i32
      %cond3A_87 = arith.constant 0 : i32
      %cond3A_88 = arith.cmpi ne, %convert_element_type3A_86, %cond3A_87 : i32
      scf.if %cond3A_88 {
        %add3A_125 = arith.constant 1 : i32
        %add3A_126 = arith.addi %add3A_56, %add3A_125 : i32
        %add3A_127 = arith.constant 4 : i32
        %add3A_128 = arith.addi %add3A_126, %add3A_127 : i32
        %dma_start3A_129 = arith.constant 0 : i32
        %dma_start3A_130 = tpu.memref_slice %arg6[%add3A_128, %dma_start3A_129] : memref<80x128xi32, #tpu.memory_space<vmem>> -> memref<1x128xi32, #tpu.memory_space<vmem>>
        %dma_start3A_131 = tpu.memref_squeeze %dma_start3A_130 : memref<1x128xi32, #tpu.memory_space<vmem>> -> memref<128xi32, #tpu.memory_space<vmem>>
        %dma_start3A_132 = arith.constant 0 : i32
        %dma_start3A_133 = arith.constant 0 : i32
        %dma_start3A_134 = tpu.memref_slice %arg2[%dma_start3A_132, %dma_start3A_133] : memref<10240x64xf32, #tpu.memory_space<hbm>> -> memref<10240x64xf32, #tpu.memory_space<hbm>>
        tpu.enqueue_indirect_dma source(%dma_start3A_134 : memref<10240x64xf32, #tpu.memory_space<hbm>>) target(%arg9 : memref<128x64xf32, #tpu.memory_space<vmem>>) offsets(%dma_start3A_131 : memref<128xi32, #tpu.memory_space<vmem>>) semaphore(%arg14 : memref<!tpu.dma_semaphore, #tpu.memory_space<semaphore_mem>>)
      } else {
      }
      %dma_wait3A_89 = arith.constant 0 : i32
      %dma_wait3A_90 = arith.constant 0 : i32
      %dma_wait3A_91 = tpu.memref_slice %arg6[%dma_wait3A_89, %dma_wait3A_90] : memref<80x128xi32, #tpu.memory_space<vmem>> -> memref<1x128xi32, #tpu.memory_space<vmem>>
      %dma_wait3A_92 = tpu.memref_squeeze %dma_wait3A_91 : memref<1x128xi32, #tpu.memory_space<vmem>> -> memref<128xi32, #tpu.memory_space<vmem>>
      %dma_wait3A_93 = arith.constant 0 : i32
      %dma_wait3A_94 = arith.constant 0 : i32
      %dma_wait3A_95 = tpu.memref_slice %arg2[%dma_wait3A_93, %dma_wait3A_94] : memref<10240x64xf32, #tpu.memory_space<hbm>> -> memref<10240x64xf32, #tpu.memory_space<hbm>>
      tpu.wait_indirect_dma semaphore(%arg15 : memref<!tpu.dma_semaphore, #tpu.memory_space<semaphore_mem>>) src(%dma_wait3A_95 : memref<10240x64xf32, #tpu.memory_space<hbm>>) dst(%arg10 : memref<128x64xf32, #tpu.memory_space<vmem>>)
      %add3A_96 = arith.constant 2 : i32
      %add3A_97 = arith.addi %add3A_56, %add3A_96 : i32
      "tpu.region"() ({
        %run_scoped3A = tpu.sem_alloc : memref<!tpu.dma_semaphore, #tpu.memory_space<semaphore_mem>>
        %dma_start3A_125 = arith.constant 0 : i32
        %dma_start3A_126 = tpu.memref_slice %arg7[%add3A_97, %dma_start3A_125] : memref<80x128xi32, #tpu.memory_space<vmem>> -> memref<1x128xi32, #tpu.memory_space<vmem>>
        %dma_start3A_127 = tpu.memref_squeeze %dma_start3A_126 : memref<1x128xi32, #tpu.memory_space<vmem>> -> memref<128xi32, #tpu.memory_space<vmem>>
        %dma_start3A_128 = arith.constant 0 : i32
        %dma_start3A_129 = arith.constant 0 : i32
        %dma_start3A_130 = tpu.memref_slice %arg12[%dma_start3A_128, %dma_start3A_129] : memref<10240x64xf32, #tpu.memory_space<vmem_shared>> -> memref<10240x64xf32, #tpu.memory_space<vmem_shared>>
        tpu.enqueue_indirect_dma source(%arg10 : memref<128x64xf32, #tpu.memory_space<vmem>>) target(%dma_start3A_130 : memref<10240x64xf32, #tpu.memory_space<vmem_shared>>) offsets(%dma_start3A_127 : memref<128xi32, #tpu.memory_space<vmem>>) semaphore(%run_scoped3A : memref<!tpu.dma_semaphore, #tpu.memory_space<semaphore_mem>>) {add = true}
        %dma_wait3A_131 = arith.constant 0 : i32
        %dma_wait3A_132 = tpu.memref_slice %arg7[%add3A_97, %dma_wait3A_131] : memref<80x128xi32, #tpu.memory_space<vmem>> -> memref<1x128xi32, #tpu.memory_space<vmem>>
        %dma_wait3A_133 = tpu.memref_squeeze %dma_wait3A_132 : memref<1x128xi32, #tpu.memory_space<vmem>> -> memref<128xi32, #tpu.memory_space<vmem>>
        %dma_wait3A_134 = arith.constant 0 : i32
        %dma_wait3A_135 = arith.constant 0 : i32
        %dma_wait3A_136 = tpu.memref_slice %arg12[%dma_wait3A_134, %dma_wait3A_135] : memref<10240x64xf32, #tpu.memory_space<vmem_shared>> -> memref<10240x64xf32, #tpu.memory_space<vmem_shared>>
        tpu.wait_indirect_dma semaphore(%run_scoped3A : memref<!tpu.dma_semaphore, #tpu.memory_space<semaphore_mem>>) src(%arg10 : memref<128x64xf32, #tpu.memory_space<vmem>>) dst(%dma_wait3A_136 : memref<10240x64xf32, #tpu.memory_space<vmem_shared>>)
        tpu.yield
      }) : () -> ()
      %add3A_98 = arith.constant 2 : i32
      %add3A_99 = arith.addi %add3A_56, %add3A_98 : i32
      %add3A_100 = arith.constant 4 : i32
      %add3A_101 = arith.addi %add3A_99, %add3A_100 : i32
      %lt3A_102 = arith.constant 80 : i32
      %lt3A_103 = arith.cmpi slt, %add3A_101, %lt3A_102 : i32
      %convert_element_type3A_104 = arith.extui %lt3A_103 : i1 to i32
      %cond3A_105 = arith.constant 0 : i32
      %cond3A_106 = arith.cmpi ne, %convert_element_type3A_104, %cond3A_105 : i32
      scf.if %cond3A_106 {
        %add3A_125 = arith.constant 2 : i32
        %add3A_126 = arith.addi %add3A_56, %add3A_125 : i32
        %add3A_127 = arith.constant 4 : i32
        %add3A_128 = arith.addi %add3A_126, %add3A_127 : i32
        %dma_start3A_129 = arith.constant 0 : i32
        %dma_start3A_130 = tpu.memref_slice %arg6[%add3A_128, %dma_start3A_129] : memref<80x128xi32, #tpu.memory_space<vmem>> -> memref<1x128xi32, #tpu.memory_space<vmem>>
        %dma_start3A_131 = tpu.memref_squeeze %dma_start3A_130 : memref<1x128xi32, #tpu.memory_space<vmem>> -> memref<128xi32, #tpu.memory_space<vmem>>
        %dma_start3A_132 = arith.constant 0 : i32
        %dma_start3A_133 = arith.constant 0 : i32
        %dma_start3A_134 = tpu.memref_slice %arg2[%dma_start3A_132, %dma_start3A_133] : memref<10240x64xf32, #tpu.memory_space<hbm>> -> memref<10240x64xf32, #tpu.memory_space<hbm>>
        tpu.enqueue_indirect_dma source(%dma_start3A_134 : memref<10240x64xf32, #tpu.memory_space<hbm>>) target(%arg10 : memref<128x64xf32, #tpu.memory_space<vmem>>) offsets(%dma_start3A_131 : memref<128xi32, #tpu.memory_space<vmem>>) semaphore(%arg15 : memref<!tpu.dma_semaphore, #tpu.memory_space<semaphore_mem>>)
      } else {
      }
      %dma_wait3A_107 = arith.constant 0 : i32
      %dma_wait3A_108 = arith.constant 0 : i32
      %dma_wait3A_109 = tpu.memref_slice %arg6[%dma_wait3A_107, %dma_wait3A_108] : memref<80x128xi32, #tpu.memory_space<vmem>> -> memref<1x128xi32, #tpu.memory_space<vmem>>
      %dma_wait3A_110 = tpu.memref_squeeze %dma_wait3A_109 : memref<1x128xi32, #tpu.memory_space<vmem>> -> memref<128xi32, #tpu.memory_space<vmem>>
      %dma_wait3A_111 = arith.constant 0 : i32
      %dma_wait3A_112 = arith.constant 0 : i32
      %dma_wait3A_113 = tpu.memref_slice %arg2[%dma_wait3A_111, %dma_wait3A_112] : memref<10240x64xf32, #tpu.memory_space<hbm>> -> memref<10240x64xf32, #tpu.memory_space<hbm>>
      tpu.wait_indirect_dma semaphore(%arg16 : memref<!tpu.dma_semaphore, #tpu.memory_space<semaphore_mem>>) src(%dma_wait3A_113 : memref<10240x64xf32, #tpu.memory_space<hbm>>) dst(%arg11 : memref<128x64xf32, #tpu.memory_space<vmem>>)
      %add3A_114 = arith.constant 3 : i32
      %add3A_115 = arith.addi %add3A_56, %add3A_114 : i32
      "tpu.region"() ({
        %run_scoped3A = tpu.sem_alloc : memref<!tpu.dma_semaphore, #tpu.memory_space<semaphore_mem>>
        %dma_start3A_125 = arith.constant 0 : i32
        %dma_start3A_126 = tpu.memref_slice %arg7[%add3A_115, %dma_start3A_125] : memref<80x128xi32, #tpu.memory_space<vmem>> -> memref<1x128xi32, #tpu.memory_space<vmem>>
        %dma_start3A_127 = tpu.memref_squeeze %dma_start3A_126 : memref<1x128xi32, #tpu.memory_space<vmem>> -> memref<128xi32, #tpu.memory_space<vmem>>
        %dma_start3A_128 = arith.constant 0 : i32
        %dma_start3A_129 = arith.constant 0 : i32
        %dma_start3A_130 = tpu.memref_slice %arg12[%dma_start3A_128, %dma_start3A_129] : memref<10240x64xf32, #tpu.memory_space<vmem_shared>> -> memref<10240x64xf32, #tpu.memory_space<vmem_shared>>
        tpu.enqueue_indirect_dma source(%arg11 : memref<128x64xf32, #tpu.memory_space<vmem>>) target(%dma_start3A_130 : memref<10240x64xf32, #tpu.memory_space<vmem_shared>>) offsets(%dma_start3A_127 : memref<128xi32, #tpu.memory_space<vmem>>) semaphore(%run_scoped3A : memref<!tpu.dma_semaphore, #tpu.memory_space<semaphore_mem>>) {add = true}
        %dma_wait3A_131 = arith.constant 0 : i32
        %dma_wait3A_132 = tpu.memref_slice %arg7[%add3A_115, %dma_wait3A_131] : memref<80x128xi32, #tpu.memory_space<vmem>> -> memref<1x128xi32, #tpu.memory_space<vmem>>
        %dma_wait3A_133 = tpu.memref_squeeze %dma_wait3A_132 : memref<1x128xi32, #tpu.memory_space<vmem>> -> memref<128xi32, #tpu.memory_space<vmem>>
        %dma_wait3A_134 = arith.constant 0 : i32
        %dma_wait3A_135 = arith.constant 0 : i32
        %dma_wait3A_136 = tpu.memref_slice %arg12[%dma_wait3A_134, %dma_wait3A_135] : memref<10240x64xf32, #tpu.memory_space<vmem_shared>> -> memref<10240x64xf32, #tpu.memory_space<vmem_shared>>
        tpu.wait_indirect_dma semaphore(%run_scoped3A : memref<!tpu.dma_semaphore, #tpu.memory_space<semaphore_mem>>) src(%arg11 : memref<128x64xf32, #tpu.memory_space<vmem>>) dst(%dma_wait3A_136 : memref<10240x64xf32, #tpu.memory_space<vmem_shared>>)
        tpu.yield
      }) : () -> ()
      %add3A_116 = arith.constant 3 : i32
      %add3A_117 = arith.addi %add3A_56, %add3A_116 : i32
      %add3A_118 = arith.constant 4 : i32
      %add3A_119 = arith.addi %add3A_117, %add3A_118 : i32
      %lt3A_120 = arith.constant 80 : i32
      %lt3A_121 = arith.cmpi slt, %add3A_119, %lt3A_120 : i32
      %convert_element_type3A_122 = arith.extui %lt3A_121 : i1 to i32
      %cond3A_123 = arith.constant 0 : i32
      %cond3A_124 = arith.cmpi ne, %convert_element_type3A_122, %cond3A_123 : i32
      scf.if %cond3A_124 {
        %add3A_125 = arith.constant 3 : i32
        %add3A_126 = arith.addi %add3A_56, %add3A_125 : i32
        %add3A_127 = arith.constant 4 : i32
        %add3A_128 = arith.addi %add3A_126, %add3A_127 : i32
        %dma_start3A_129 = arith.constant 0 : i32
        %dma_start3A_130 = tpu.memref_slice %arg6[%add3A_128, %dma_start3A_129] : memref<80x128xi32, #tpu.memory_space<vmem>> -> memref<1x128xi32, #tpu.memory_space<vmem>>
        %dma_start3A_131 = tpu.memref_squeeze %dma_start3A_130 : memref<1x128xi32, #tpu.memory_space<vmem>> -> memref<128xi32, #tpu.memory_space<vmem>>
        %dma_start3A_132 = arith.constant 0 : i32
        %dma_start3A_133 = arith.constant 0 : i32
        %dma_start3A_134 = tpu.memref_slice %arg2[%dma_start3A_132, %dma_start3A_133] : memref<10240x64xf32, #tpu.memory_space<hbm>> -> memref<10240x64xf32, #tpu.memory_space<hbm>>
        tpu.enqueue_indirect_dma source(%dma_start3A_134 : memref<10240x64xf32, #tpu.memory_space<hbm>>) target(%arg11 : memref<128x64xf32, #tpu.memory_space<vmem>>) offsets(%dma_start3A_131 : memref<128xi32, #tpu.memory_space<vmem>>) semaphore(%arg16 : memref<!tpu.dma_semaphore, #tpu.memory_space<semaphore_mem>>)
      } else {
      }
    }
    %scan3A_46 = arith.constant 20 : i32
    %barrier3A_47 = arith.constant 0 : index
    tpu.barrier barrier_id(%barrier3A_47)
    %mul3A_48 = arith.constant 640 : i32
    %mul3A_49 = arith.muli %arg1, %mul3A_48 : i32
    %mul3A_50 = arith.constant 640 : i32
    %mul3A_51 = arith.muli %arg1, %mul3A_50 : i32
    "tpu.region"() ({
      %run_scoped3A = tpu.sem_alloc : memref<!tpu.dma_semaphore, #tpu.memory_space<semaphore_mem>>
      %dma_start3A_52 = arith.constant 0 : i32
      %dma_start3A_53 = tpu.memref_slice %arg5[%arg0, %mul3A_51, %dma_start3A_52] : memref<2x10240x128xf32, #tpu.memory_space<hbm>> -> memref<1x640x64xf32, #tpu.memory_space<hbm>>
      %dma_start3A_54 = tpu.memref_squeeze %dma_start3A_53 : memref<1x640x64xf32, #tpu.memory_space<hbm>> -> memref<640x64xf32, #tpu.memory_space<hbm>>
      %dma_start3A_55 = arith.constant 0 : i32
      %dma_start3A_56 = tpu.memref_slice %arg12[%mul3A_49, %dma_start3A_55] : memref<10240x64xf32, #tpu.memory_space<vmem_shared>> -> memref<640x64xf32, #tpu.memory_space<vmem_shared>>
      tpu.enqueue_dma source(%dma_start3A_56 : memref<640x64xf32, #tpu.memory_space<vmem_shared>>) target(%dma_start3A_54 : memref<640x64xf32, #tpu.memory_space<hbm>>) target_semaphore(%run_scoped3A : memref<!tpu.dma_semaphore, #tpu.memory_space<semaphore_mem>>)
      %dma_wait3A = arith.constant 0 : i32
      %dma_wait3A_57 = tpu.memref_slice %arg5[%arg0, %mul3A_51, %dma_wait3A] : memref<2x10240x128xf32, #tpu.memory_space<hbm>> -> memref<1x640x64xf32, #tpu.memory_space<hbm>>
      %dma_wait3A_58 = tpu.memref_squeeze %dma_wait3A_57 : memref<1x640x64xf32, #tpu.memory_space<hbm>> -> memref<640x64xf32, #tpu.memory_space<hbm>>
      %dma_wait3A_59 = arith.constant 0 : i32
      %dma_wait3A_60 = tpu.memref_slice %arg12[%mul3A_49, %dma_wait3A_59] : memref<10240x64xf32, #tpu.memory_space<vmem_shared>> -> memref<640x64xf32, #tpu.memory_space<vmem_shared>>
      tpu.wait_dma2 semaphore(%run_scoped3A : memref<!tpu.dma_semaphore, #tpu.memory_space<semaphore_mem>>) src(%dma_wait3A_60 : memref<640x64xf32, #tpu.memory_space<vmem_shared>>) dst(%dma_wait3A_58 : memref<640x64xf32, #tpu.memory_space<hbm>>)
      tpu.yield
    }) : () -> ()
    return
  }
}

#map = affine_map<(d0, d1) -> (0, 0)>
#map1 = affine_map<(d0, d1) -> (0)>
module attributes {stable_mosaic.version = 14 : i64} {
  func.func @k(%arg0: i32, %arg1: i32, %arg2: memref<2560x128xi32, #tpu.memory_space<hbm>>, %arg3: memref<128xf32, #tpu.memory_space<hbm>>, %arg4: memref<10240xf32, #tpu.memory_space<hbm>>, %arg5: memref<20480xf32, #tpu.memory_space<hbm>>, %arg6: memref<80x128xi32, #tpu.memory_space<vmem>>, %arg7: memref<128xf32, #tpu.memory_space<vmem>>, %arg8: memref<10240xf32, #tpu.memory_space<vmem_shared>>, %arg9: memref<!tpu.dma_semaphore, #tpu.memory_space<semaphore_mem>>) attributes {dimension_semantics = [#tpu.dimension_semantics<core_parallel>, #tpu.dimension_semantics<subcore_parallel>], iteration_bounds = array<i64: 2, 16>, scalar_prefetch = 0 : i64, scratch_operands = 4 : i64, tpu.core_type = #tpu.core_type<sc_vector_subcore>, window_params = [{transform_indices = #map}, {transform_indices = #map1}, {transform_indices = #map1}, {transform_indices = #map1}]} {
    %mul3A = arith.constant 2 : i32
    %mul3A_0 = arith.muli %arg1, %mul3A : i32
    %add3A = arith.addi %mul3A_0, %arg0 : i32
    %mul3A_1 = arith.constant 640 : i32
    %mul3A_2 = arith.muli %arg1, %mul3A_1 : i32
    %mul3A_3 = arith.constant 640 : i32
    %mul3A_4 = arith.muli %arg1, %mul3A_3 : i32
    "tpu.region"() ({
      %run_scoped3A = tpu.sem_alloc : memref<!tpu.dma_semaphore, #tpu.memory_space<semaphore_mem>>
      %dma_start3A = tpu.memref_slice %arg8[%mul3A_4] : memref<10240xf32, #tpu.memory_space<vmem_shared>> -> memref<640xf32, #tpu.memory_space<vmem_shared>>
      %dma_start3A_19 = tpu.memref_slice %arg4[%mul3A_2] : memref<10240xf32, #tpu.memory_space<hbm>> -> memref<640xf32, #tpu.memory_space<hbm>>
      tpu.enqueue_dma source(%dma_start3A_19 : memref<640xf32, #tpu.memory_space<hbm>>) target(%dma_start3A : memref<640xf32, #tpu.memory_space<vmem_shared>>) target_semaphore(%run_scoped3A : memref<!tpu.dma_semaphore, #tpu.memory_space<semaphore_mem>>)
      %dma_wait3A = tpu.memref_slice %arg8[%mul3A_4] : memref<10240xf32, #tpu.memory_space<vmem_shared>> -> memref<640xf32, #tpu.memory_space<vmem_shared>>
      %dma_wait3A_20 = tpu.memref_slice %arg4[%mul3A_2] : memref<10240xf32, #tpu.memory_space<hbm>> -> memref<640xf32, #tpu.memory_space<hbm>>
      tpu.wait_dma2 semaphore(%run_scoped3A : memref<!tpu.dma_semaphore, #tpu.memory_space<semaphore_mem>>) src(%dma_wait3A_20 : memref<640xf32, #tpu.memory_space<hbm>>) dst(%dma_wait3A : memref<640xf32, #tpu.memory_space<vmem_shared>>)
      tpu.yield
    }) : () -> ()
    "tpu.region"() ({
      %run_scoped3A = tpu.sem_alloc : memref<!tpu.dma_semaphore, #tpu.memory_space<semaphore_mem>>
      tpu.enqueue_dma source(%arg3 : memref<128xf32, #tpu.memory_space<hbm>>) target(%arg7 : memref<128xf32, #tpu.memory_space<vmem>>) target_semaphore(%run_scoped3A : memref<!tpu.dma_semaphore, #tpu.memory_space<semaphore_mem>>)
      tpu.wait_dma2 semaphore(%run_scoped3A : memref<!tpu.dma_semaphore, #tpu.memory_space<semaphore_mem>>) src(%arg3 : memref<128xf32, #tpu.memory_space<hbm>>) dst(%arg7 : memref<128xf32, #tpu.memory_space<vmem>>)
      tpu.yield
    }) : () -> ()
    %mul3A_5 = arith.constant 80 : i32
    %mul3A_6 = arith.muli %add3A, %mul3A_5 : i32
    "tpu.region"() ({
      %run_scoped3A = tpu.sem_alloc : memref<!tpu.dma_semaphore, #tpu.memory_space<semaphore_mem>>
      %dma_start3A = arith.constant 0 : i32
      %dma_start3A_19 = tpu.memref_slice %arg2[%mul3A_6, %dma_start3A] : memref<2560x128xi32, #tpu.memory_space<hbm>> -> memref<80x128xi32, #tpu.memory_space<hbm>>
      %dma_start3A_20 = arith.constant 0 : i32
      %dma_start3A_21 = tpu.memref_slice %arg2[%mul3A_6, %dma_start3A_20] : memref<2560x128xi32, #tpu.memory_space<hbm>> -> memref<80x128xi32, #tpu.memory_space<hbm>>
      tpu.enqueue_dma source(%dma_start3A_21 : memref<80x128xi32, #tpu.memory_space<hbm>>) target(%arg6 : memref<80x128xi32, #tpu.memory_space<vmem>>) target_semaphore(%run_scoped3A : memref<!tpu.dma_semaphore, #tpu.memory_space<semaphore_mem>>)
      %dma_wait3A = arith.constant 0 : i32
      %dma_wait3A_22 = tpu.memref_slice %arg2[%mul3A_6, %dma_wait3A] : memref<2560x128xi32, #tpu.memory_space<hbm>> -> memref<80x128xi32, #tpu.memory_space<hbm>>
      %dma_wait3A_23 = arith.constant 0 : i32
      %dma_wait3A_24 = tpu.memref_slice %arg2[%mul3A_6, %dma_wait3A_23] : memref<2560x128xi32, #tpu.memory_space<hbm>> -> memref<80x128xi32, #tpu.memory_space<hbm>>
      tpu.wait_dma2 semaphore(%run_scoped3A : memref<!tpu.dma_semaphore, #tpu.memory_space<semaphore_mem>>) src(%dma_wait3A_24 : memref<80x128xi32, #tpu.memory_space<hbm>>) dst(%arg6 : memref<80x128xi32, #tpu.memory_space<vmem>>)
      tpu.yield
    }) : () -> ()
    %barrier3A = arith.constant 0 : index
    tpu.barrier barrier_id(%barrier3A)
    %scan3A = arith.constant 0 : i32
    %scan3A_7 = arith.constant 5 : i32
    %scan3A_8 = arith.addi %scan3A, %scan3A_7 : i32
    %scan3A_9 = arith.constant 1 : i32
    scf.for %scan3A_19 = %scan3A to %scan3A_8 step %scan3A_9  : i32 {
      %mul3A_20 = arith.constant 16 : i32
      %mul3A_21 = arith.muli %scan3A_19, %mul3A_20 : i32
      %add3A_22 = arith.constant 0 : i32
      %add3A_23 = arith.addi %add3A_22, %mul3A_21 : i32
      %scan3A_24 = arith.constant 0 : i32
      %scan3A_25 = arith.constant 16 : i32
      %scan3A_26 = arith.addi %scan3A_24, %scan3A_25 : i32
      %scan3A_27 = arith.constant 1 : i32
      scf.for %scan3A_34 = %scan3A_24 to %scan3A_26 step %scan3A_27  : i32 {
        %mul3A_35 = arith.constant 1 : i32
        %mul3A_36 = arith.muli %scan3A_34, %mul3A_35 : i32
        %add3A_37 = arith.constant 0 : i32
        %add3A_38 = arith.addi %add3A_37, %mul3A_36 : i32
        %add3A_39 = arith.addi %add3A_23, %add3A_38 : i32
        %dma_start3A = arith.constant 0 : i32
        %dma_start3A_40 = tpu.memref_slice %arg6[%add3A_39, %dma_start3A] : memref<80x128xi32, #tpu.memory_space<vmem>> -> memref<1x128xi32, #tpu.memory_space<vmem>>
        %dma_start3A_41 = tpu.memref_squeeze %dma_start3A_40 : memref<1x128xi32, #tpu.memory_space<vmem>> -> memref<128xi32, #tpu.memory_space<vmem>>
        %dma_start3A_42 = arith.constant 0 : i32
        %dma_start3A_43 = tpu.memref_slice %arg8[%dma_start3A_42] : memref<10240xf32, #tpu.memory_space<vmem_shared>> -> memref<10240xf32, #tpu.memory_space<vmem_shared>>
        tpu.enqueue_indirect_dma source(%arg7 : memref<128xf32, #tpu.memory_space<vmem>>) target(%dma_start3A_43 : memref<10240xf32, #tpu.memory_space<vmem_shared>>) offsets(%dma_start3A_41 : memref<128xi32, #tpu.memory_space<vmem>>) semaphore(%arg9 : memref<!tpu.dma_semaphore, #tpu.memory_space<semaphore_mem>>) {add = true}
      }
      %scan3A_28 = arith.constant 16 : i32
      %scan3A_29 = arith.constant 0 : i32
      %scan3A_30 = arith.constant 16 : i32
      %scan3A_31 = arith.addi %scan3A_29, %scan3A_30 : i32
      %scan3A_32 = arith.constant 1 : i32
      scf.for %scan3A_34 = %scan3A_29 to %scan3A_31 step %scan3A_32  : i32 {
        %mul3A_35 = arith.constant 1 : i32
        %mul3A_36 = arith.muli %scan3A_34, %mul3A_35 : i32
        %add3A_37 = arith.constant 0 : i32
        %add3A_38 = arith.addi %add3A_37, %mul3A_36 : i32
        %dma_wait3A = arith.constant 0 : i32
        %dma_wait3A_39 = arith.constant 0 : i32
        %dma_wait3A_40 = tpu.memref_slice %arg6[%dma_wait3A, %dma_wait3A_39] : memref<80x128xi32, #tpu.memory_space<vmem>> -> memref<1x128xi32, #tpu.memory_space<vmem>>
        %dma_wait3A_41 = tpu.memref_squeeze %dma_wait3A_40 : memref<1x128xi32, #tpu.memory_space<vmem>> -> memref<128xi32, #tpu.memory_space<vmem>>
        %dma_wait3A_42 = arith.constant 0 : i32
        %dma_wait3A_43 = tpu.memref_slice %arg8[%dma_wait3A_42] : memref<10240xf32, #tpu.memory_space<vmem_shared>> -> memref<10240xf32, #tpu.memory_space<vmem_shared>>
        tpu.wait_indirect_dma semaphore(%arg9 : memref<!tpu.dma_semaphore, #tpu.memory_space<semaphore_mem>>) src(%arg7 : memref<128xf32, #tpu.memory_space<vmem>>) dst(%dma_wait3A_43 : memref<10240xf32, #tpu.memory_space<vmem_shared>>)
      }
      %scan3A_33 = arith.constant 16 : i32
    }
    %scan3A_10 = arith.constant 5 : i32
    %barrier3A_11 = arith.constant 0 : index
    tpu.barrier barrier_id(%barrier3A_11)
    %mul3A_12 = arith.constant 640 : i32
    %mul3A_13 = arith.muli %arg1, %mul3A_12 : i32
    %mul3A_14 = arith.constant 10240 : i32
    %mul3A_15 = arith.muli %arg0, %mul3A_14 : i32
    %mul3A_16 = arith.constant 640 : i32
    %mul3A_17 = arith.muli %arg1, %mul3A_16 : i32
    %add3A_18 = arith.addi %mul3A_15, %mul3A_17 : i32
    "tpu.region"() ({
      %run_scoped3A = tpu.sem_alloc : memref<!tpu.dma_semaphore, #tpu.memory_space<semaphore_mem>>
      %dma_start3A = tpu.memref_slice %arg5[%add3A_18] : memref<20480xf32, #tpu.memory_space<hbm>> -> memref<640xf32, #tpu.memory_space<hbm>>
      %dma_start3A_19 = tpu.memref_slice %arg8[%mul3A_13] : memref<10240xf32, #tpu.memory_space<vmem_shared>> -> memref<640xf32, #tpu.memory_space<vmem_shared>>
      tpu.enqueue_dma source(%dma_start3A_19 : memref<640xf32, #tpu.memory_space<vmem_shared>>) target(%dma_start3A : memref<640xf32, #tpu.memory_space<hbm>>) target_semaphore(%run_scoped3A : memref<!tpu.dma_semaphore, #tpu.memory_space<semaphore_mem>>)
      %dma_wait3A = tpu.memref_slice %arg5[%add3A_18] : memref<20480xf32, #tpu.memory_space<hbm>> -> memref<640xf32, #tpu.memory_space<hbm>>
      %dma_wait3A_20 = tpu.memref_slice %arg8[%mul3A_13] : memref<10240xf32, #tpu.memory_space<vmem_shared>> -> memref<640xf32, #tpu.memory_space<vmem_shared>>
      tpu.wait_dma2 semaphore(%run_scoped3A : memref<!tpu.dma_semaphore, #tpu.memory_space<semaphore_mem>>) src(%dma_wait3A_20 : memref<640xf32, #tpu.memory_space<vmem_shared>>) dst(%dma_wait3A : memref<640xf32, #tpu.memory_space<hbm>>)
      tpu.yield
    }) : () -> ()
    return
  }
}

#map = affine_map<(d0, d1) -> (0, 0)>
#map1 = affine_map<(d0, d1) -> (0, 0, 0)>
module attributes {stable_mosaic.version = 14 : i64} {
  func.func @k(%arg0: i32, %arg1: i32, %arg2: memref<10240x128xf32, #tpu.memory_space<hbm>>, %arg3: memref<2560x128xi32, #tpu.memory_space<hbm>>, %arg4: memref<2560x128xi32, #tpu.memory_space<hbm>>, %arg5: memref<2x10240x128xf32, #tpu.memory_space<hbm>>, %arg6: memref<40x128xi32, #tpu.memory_space<vmem>>, %arg7: memref<40x128xi32, #tpu.memory_space<vmem>>, %arg8: memref<128x128xf32, #tpu.memory_space<vmem>>, %arg9: memref<128x128xf32, #tpu.memory_space<vmem>>, %arg10: memref<10240x128xf32, #tpu.memory_space<vmem_shared>>, %arg11: memref<!tpu.dma_semaphore, #tpu.memory_space<semaphore_mem>>, %arg12: memref<!tpu.dma_semaphore, #tpu.memory_space<semaphore_mem>>) attributes {dimension_semantics = [#tpu.dimension_semantics<core_parallel>, #tpu.dimension_semantics<subcore_parallel>], iteration_bounds = array<i64: 2, 16>, scalar_prefetch = 0 : i64, scratch_operands = 7 : i64, tpu.core_type = #tpu.core_type<sc_vector_subcore>, window_params = [{transform_indices = #map}, {transform_indices = #map}, {transform_indices = #map}, {transform_indices = #map1}]} {
    %mul3A = arith.constant 2 : i32
    %mul3A_0 = arith.muli %arg1, %mul3A : i32
    %add3A = arith.addi %mul3A_0, %arg0 : i32
    %broadcast_in_dim3A = arith.constant 0.000000e+00 : f32
    %broadcast_in_dim3A_1 = vector.broadcast %broadcast_in_dim3A : f32 to vector<16xf32>
    %scan3A = arith.constant 0 : i32
    %scan3A_2 = arith.constant 128 : i32
    %scan3A_3 = arith.addi %scan3A, %scan3A_2 : i32
    %scan3A_4 = arith.constant 1 : i32
    scf.for %scan3A_61 = %scan3A to %scan3A_3 step %scan3A_4  : i32 {
      %mul3A_62 = arith.constant 1 : i32
      %mul3A_63 = arith.muli %scan3A_61, %mul3A_62 : i32
      %add3A_64 = arith.constant 0 : i32
      %add3A_65 = arith.addi %add3A_64, %mul3A_63 : i32
      %scan3A_66 = arith.constant 0 : i32
      %scan3A_67 = arith.constant 8 : i32
      %scan3A_68 = arith.addi %scan3A_66, %scan3A_67 : i32
      %scan3A_69 = arith.constant 1 : i32
      scf.for %scan3A_71 = %scan3A_66 to %scan3A_68 step %scan3A_69  : i32 {
        %mul3A_72 = arith.constant 16 : i32
        %mul3A_73 = arith.muli %scan3A_71, %mul3A_72 : i32
        %add3A_74 = arith.constant 0 : i32
        %add3A_75 = arith.addi %add3A_74, %mul3A_73 : i32
        %swap3A = arith.index_cast %add3A_65 : i32 to index
        %swap3A_76 = arith.index_cast %add3A_75 : i32 to index
        %swap3A_77 = tpu.vector_load %arg8[%swap3A, %swap3A_76] {strides = array<i32>} : memref<128x128xf32, #tpu.memory_space<vmem>>, vector<1x16xf32>,
        %swap3A_78 = vector.shape_cast %swap3A_77 : vector<1x16xf32> to vector<16xf32>
        %swap3A_79 = vector.shape_cast %broadcast_in_dim3A_1 : vector<16xf32> to vector<1x16xf32>
        tpu.vector_store %arg8[%swap3A, %swap3A_76], %swap3A_79 {strides = array<i32>} : memref<128x128xf32, #tpu.memory_space<vmem>>, vector<1x16xf32>,
      }
      %scan3A_70 = arith.constant 8 : i32
    }
    %scan3A_5 = arith.constant 128 : i32
    %scan3A_6 = arith.constant 0 : i32
    %scan3A_7 = arith.constant 5 : i32
    %scan3A_8 = arith.addi %scan3A_6, %scan3A_7 : i32
    %scan3A_9 = arith.constant 1 : i32
    scf.for %scan3A_61 = %scan3A_6 to %scan3A_8 step %scan3A_9  : i32 {
      %mul3A_62 = arith.constant 128 : i32
      %mul3A_63 = arith.muli %scan3A_61, %mul3A_62 : i32
      %add3A_64 = arith.constant 0 : i32
      %add3A_65 = arith.addi %add3A_64, %mul3A_63 : i32
      %mul3A_66 = arith.constant 640 : i32
      %mul3A_67 = arith.muli %arg1, %mul3A_66 : i32
      %add3A_68 = arith.addi %mul3A_67, %add3A_65 : i32
      "tpu.region"() ({
        %run_scoped3A = tpu.sem_alloc : memref<!tpu.dma_semaphore, #tpu.memory_space<semaphore_mem>>
        %dma_start3A_69 = arith.constant 0 : i32
        %dma_start3A_70 = tpu.memref_slice %arg10[%add3A_68, %dma_start3A_69] : memref<10240x128xf32, #tpu.memory_space<vmem_shared>> -> memref<128x128xf32, #tpu.memory_space<vmem_shared>>
        %dma_start3A_71 = arith.constant 0 : i32
        %dma_start3A_72 = tpu.memref_slice %arg10[%add3A_68, %dma_start3A_71] : memref<10240x128xf32, #tpu.memory_space<vmem_shared>> -> memref<128x128xf32, #tpu.memory_space<vmem_shared>>
        tpu.enqueue_dma source(%arg8 : memref<128x128xf32, #tpu.memory_space<vmem>>) target(%dma_start3A_72 : memref<128x128xf32, #tpu.memory_space<vmem_shared>>) target_semaphore(%run_scoped3A : memref<!tpu.dma_semaphore, #tpu.memory_space<semaphore_mem>>)
        %dma_wait3A = arith.constant 0 : i32
        %dma_wait3A_73 = tpu.memref_slice %arg10[%add3A_68, %dma_wait3A] : memref<10240x128xf32, #tpu.memory_space<vmem_shared>> -> memref<128x128xf32, #tpu.memory_space<vmem_shared>>
        %dma_wait3A_74 = arith.constant 0 : i32
        %dma_wait3A_75 = tpu.memref_slice %arg10[%add3A_68, %dma_wait3A_74] : memref<10240x128xf32, #tpu.memory_space<vmem_shared>> -> memref<128x128xf32, #tpu.memory_space<vmem_shared>>
        tpu.wait_dma2 semaphore(%run_scoped3A : memref<!tpu.dma_semaphore, #tpu.memory_space<semaphore_mem>>) src(%arg8 : memref<128x128xf32, #tpu.memory_space<vmem>>) dst(%dma_wait3A_75 : memref<128x128xf32, #tpu.memory_space<vmem_shared>>)
        tpu.yield
      }) : () -> ()
    }
    %scan3A_10 = arith.constant 5 : i32
    %barrier3A = arith.constant 0 : index
    tpu.barrier barrier_id(%barrier3A)
    %mul3A_11 = arith.constant 80 : i32
    %mul3A_12 = arith.muli %add3A, %mul3A_11 : i32
    %add3A_13 = arith.constant 0 : i32
    %add3A_14 = arith.addi %mul3A_12, %add3A_13 : i32
    "tpu.region"() ({
      %run_scoped3A = tpu.sem_alloc : memref<!tpu.dma_semaphore, #tpu.memory_space<semaphore_mem>>
      %dma_start3A_61 = arith.constant 0 : i32
      %dma_start3A_62 = tpu.memref_slice %arg3[%add3A_14, %dma_start3A_61] : memref<2560x128xi32, #tpu.memory_space<hbm>> -> memref<40x128xi32, #tpu.memory_space<hbm>>
      %dma_start3A_63 = arith.constant 0 : i32
      %dma_start3A_64 = tpu.memref_slice %arg3[%add3A_14, %dma_start3A_63] : memref<2560x128xi32, #tpu.memory_space<hbm>> -> memref<40x128xi32, #tpu.memory_space<hbm>>
      tpu.enqueue_dma source(%dma_start3A_64 : memref<40x128xi32, #tpu.memory_space<hbm>>) target(%arg6 : memref<40x128xi32, #tpu.memory_space<vmem>>) target_semaphore(%run_scoped3A : memref<!tpu.dma_semaphore, #tpu.memory_space<semaphore_mem>>)
      %dma_wait3A = arith.constant 0 : i32
      %dma_wait3A_65 = tpu.memref_slice %arg3[%add3A_14, %dma_wait3A] : memref<2560x128xi32, #tpu.memory_space<hbm>> -> memref<40x128xi32, #tpu.memory_space<hbm>>
      %dma_wait3A_66 = arith.constant 0 : i32
      %dma_wait3A_67 = tpu.memref_slice %arg3[%add3A_14, %dma_wait3A_66] : memref<2560x128xi32, #tpu.memory_space<hbm>> -> memref<40x128xi32, #tpu.memory_space<hbm>>
      tpu.wait_dma2 semaphore(%run_scoped3A : memref<!tpu.dma_semaphore, #tpu.memory_space<semaphore_mem>>) src(%dma_wait3A_67 : memref<40x128xi32, #tpu.memory_space<hbm>>) dst(%arg6 : memref<40x128xi32, #tpu.memory_space<vmem>>)
      tpu.yield
    }) : () -> ()
    "tpu.region"() ({
      %run_scoped3A = tpu.sem_alloc : memref<!tpu.dma_semaphore, #tpu.memory_space<semaphore_mem>>
      %dma_start3A_61 = arith.constant 0 : i32
      %dma_start3A_62 = tpu.memref_slice %arg4[%add3A_14, %dma_start3A_61] : memref<2560x128xi32, #tpu.memory_space<hbm>> -> memref<40x128xi32, #tpu.memory_space<hbm>>
      %dma_start3A_63 = arith.constant 0 : i32
      %dma_start3A_64 = tpu.memref_slice %arg4[%add3A_14, %dma_start3A_63] : memref<2560x128xi32, #tpu.memory_space<hbm>> -> memref<40x128xi32, #tpu.memory_space<hbm>>
      tpu.enqueue_dma source(%dma_start3A_64 : memref<40x128xi32, #tpu.memory_space<hbm>>) target(%arg7 : memref<40x128xi32, #tpu.memory_space<vmem>>) target_semaphore(%run_scoped3A : memref<!tpu.dma_semaphore, #tpu.memory_space<semaphore_mem>>)
      %dma_wait3A = arith.constant 0 : i32
      %dma_wait3A_65 = tpu.memref_slice %arg4[%add3A_14, %dma_wait3A] : memref<2560x128xi32, #tpu.memory_space<hbm>> -> memref<40x128xi32, #tpu.memory_space<hbm>>
      %dma_wait3A_66 = arith.constant 0 : i32
      %dma_wait3A_67 = tpu.memref_slice %arg4[%add3A_14, %dma_wait3A_66] : memref<2560x128xi32, #tpu.memory_space<hbm>> -> memref<40x128xi32, #tpu.memory_space<hbm>>
      tpu.wait_dma2 semaphore(%run_scoped3A : memref<!tpu.dma_semaphore, #tpu.memory_space<semaphore_mem>>) src(%dma_wait3A_67 : memref<40x128xi32, #tpu.memory_space<hbm>>) dst(%arg7 : memref<40x128xi32, #tpu.memory_space<vmem>>)
      tpu.yield
    }) : () -> ()
    %dma_start3A = arith.constant 0 : i32
    %dma_start3A_15 = arith.constant 0 : i32
    %dma_start3A_16 = tpu.memref_slice %arg6[%dma_start3A, %dma_start3A_15] : memref<40x128xi32, #tpu.memory_space<vmem>> -> memref<1x128xi32, #tpu.memory_space<vmem>>
    %dma_start3A_17 = tpu.memref_squeeze %dma_start3A_16 : memref<1x128xi32, #tpu.memory_space<vmem>> -> memref<128xi32, #tpu.memory_space<vmem>>
    %dma_start3A_18 = arith.constant 0 : i32
    %dma_start3A_19 = arith.constant 0 : i32
    %dma_start3A_20 = tpu.memref_slice %arg2[%dma_start3A_18, %dma_start3A_19] : memref<10240x128xf32, #tpu.memory_space<hbm>> -> memref<10240x128xf32, #tpu.memory_space<hbm>>
    tpu.enqueue_indirect_dma source(%dma_start3A_20 : memref<10240x128xf32, #tpu.memory_space<hbm>>) target(%arg8 : memref<128x128xf32, #tpu.memory_space<vmem>>) offsets(%dma_start3A_17 : memref<128xi32, #tpu.memory_space<vmem>>) semaphore(%arg11 : memref<!tpu.dma_semaphore, #tpu.memory_space<semaphore_mem>>)
    %dma_start3A_21 = arith.constant 1 : i32
    %dma_start3A_22 = arith.constant 0 : i32
    %dma_start3A_23 = tpu.memref_slice %arg6[%dma_start3A_21, %dma_start3A_22] : memref<40x128xi32, #tpu.memory_space<vmem>> -> memref<1x128xi32, #tpu.memory_space<vmem>>
    %dma_start3A_24 = tpu.memref_squeeze %dma_start3A_23 : memref<1x128xi32, #tpu.memory_space<vmem>> -> memref<128xi32, #tpu.memory_space<vmem>>
    %dma_start3A_25 = arith.constant 0 : i32
    %dma_start3A_26 = arith.constant 0 : i32
    %dma_start3A_27 = tpu.memref_slice %arg2[%dma_start3A_25, %dma_start3A_26] : memref<10240x128xf32, #tpu.memory_space<hbm>> -> memref<10240x128xf32, #tpu.memory_space<hbm>>
    tpu.enqueue_indirect_dma source(%dma_start3A_27 : memref<10240x128xf32, #tpu.memory_space<hbm>>) target(%arg9 : memref<128x128xf32, #tpu.memory_space<vmem>>) offsets(%dma_start3A_24 : memref<128xi32, #tpu.memory_space<vmem>>) semaphore(%arg12 : memref<!tpu.dma_semaphore, #tpu.memory_space<semaphore_mem>>)
    %scan3A_28 = arith.constant 0 : i32
    %scan3A_29 = arith.constant 20 : i32
    %scan3A_30 = arith.addi %scan3A_28, %scan3A_29 : i32
    %scan3A_31 = arith.constant 1 : i32
    scf.for %scan3A_61 = %scan3A_28 to %scan3A_30 step %scan3A_31  : i32 {
      %mul3A_62 = arith.constant 2 : i32
      %mul3A_63 = arith.muli %scan3A_61, %mul3A_62 : i32
      %add3A_64 = arith.constant 0 : i32
      %add3A_65 = arith.addi %add3A_64, %mul3A_63 : i32
      %dma_wait3A = arith.constant 0 : i32
      %dma_wait3A_66 = arith.constant 0 : i32
      %dma_wait3A_67 = tpu.memref_slice %arg6[%dma_wait3A, %dma_wait3A_66] : memref<40x128xi32, #tpu.memory_space<vmem>> -> memref<1x128xi32, #tpu.memory_space<vmem>>
      %dma_wait3A_68 = tpu.memref_squeeze %dma_wait3A_67 : memref<1x128xi32, #tpu.memory_space<vmem>> -> memref<128xi32, #tpu.memory_space<vmem>>
      %dma_wait3A_69 = arith.constant 0 : i32
      %dma_wait3A_70 = arith.constant 0 : i32
      %dma_wait3A_71 = tpu.memref_slice %arg2[%dma_wait3A_69, %dma_wait3A_70] : memref<10240x128xf32, #tpu.memory_space<hbm>> -> memref<10240x128xf32, #tpu.memory_space<hbm>>
      tpu.wait_indirect_dma semaphore(%arg11 : memref<!tpu.dma_semaphore, #tpu.memory_space<semaphore_mem>>) src(%dma_wait3A_71 : memref<10240x128xf32, #tpu.memory_space<hbm>>) dst(%arg8 : memref<128x128xf32, #tpu.memory_space<vmem>>)
      %add3A_72 = arith.constant 0 : i32
      %add3A_73 = arith.addi %add3A_65, %add3A_72 : i32
      "tpu.region"() ({
        %run_scoped3A = tpu.sem_alloc : memref<!tpu.dma_semaphore, #tpu.memory_space<semaphore_mem>>
        %dma_start3A_98 = arith.constant 0 : i32
        %dma_start3A_99 = tpu.memref_slice %arg7[%add3A_73, %dma_start3A_98] : memref<40x128xi32, #tpu.memory_space<vmem>> -> memref<1x128xi32, #tpu.memory_space<vmem>>
        %dma_start3A_100 = tpu.memref_squeeze %dma_start3A_99 : memref<1x128xi32, #tpu.memory_space<vmem>> -> memref<128xi32, #tpu.memory_space<vmem>>
        %dma_start3A_101 = arith.constant 0 : i32
        %dma_start3A_102 = arith.constant 0 : i32
        %dma_start3A_103 = tpu.memref_slice %arg10[%dma_start3A_101, %dma_start3A_102] : memref<10240x128xf32, #tpu.memory_space<vmem_shared>> -> memref<10240x128xf32, #tpu.memory_space<vmem_shared>>
        tpu.enqueue_indirect_dma source(%arg8 : memref<128x128xf32, #tpu.memory_space<vmem>>) target(%dma_start3A_103 : memref<10240x128xf32, #tpu.memory_space<vmem_shared>>) offsets(%dma_start3A_100 : memref<128xi32, #tpu.memory_space<vmem>>) semaphore(%run_scoped3A : memref<!tpu.dma_semaphore, #tpu.memory_space<semaphore_mem>>) {add = true}
        %dma_wait3A_104 = arith.constant 0 : i32
        %dma_wait3A_105 = tpu.memref_slice %arg7[%add3A_73, %dma_wait3A_104] : memref<40x128xi32, #tpu.memory_space<vmem>> -> memref<1x128xi32, #tpu.memory_space<vmem>>
        %dma_wait3A_106 = tpu.memref_squeeze %dma_wait3A_105 : memref<1x128xi32, #tpu.memory_space<vmem>> -> memref<128xi32, #tpu.memory_space<vmem>>
        %dma_wait3A_107 = arith.constant 0 : i32
        %dma_wait3A_108 = arith.constant 0 : i32
        %dma_wait3A_109 = tpu.memref_slice %arg10[%dma_wait3A_107, %dma_wait3A_108] : memref<10240x128xf32, #tpu.memory_space<vmem_shared>> -> memref<10240x128xf32, #tpu.memory_space<vmem_shared>>
        tpu.wait_indirect_dma semaphore(%run_scoped3A : memref<!tpu.dma_semaphore, #tpu.memory_space<semaphore_mem>>) src(%arg8 : memref<128x128xf32, #tpu.memory_space<vmem>>) dst(%dma_wait3A_109 : memref<10240x128xf32, #tpu.memory_space<vmem_shared>>)
        tpu.yield
      }) : () -> ()
      %add3A_74 = arith.constant 0 : i32
      %add3A_75 = arith.addi %add3A_65, %add3A_74 : i32
      %add3A_76 = arith.constant 2 : i32
      %add3A_77 = arith.addi %add3A_75, %add3A_76 : i32
      %lt3A = arith.constant 40 : i32
      %lt3A_78 = arith.cmpi slt, %add3A_77, %lt3A : i32
      %convert_element_type3A = arith.extui %lt3A_78 : i1 to i32
      %cond3A = arith.constant 0 : i32
      %cond3A_79 = arith.cmpi ne, %convert_element_type3A, %cond3A : i32
      scf.if %cond3A_79 {
        %add3A_98 = arith.constant 0 : i32
        %add3A_99 = arith.addi %add3A_65, %add3A_98 : i32
        %add3A_100 = arith.constant 2 : i32
        %add3A_101 = arith.addi %add3A_99, %add3A_100 : i32
        %dma_start3A_102 = arith.constant 0 : i32
        %dma_start3A_103 = tpu.memref_slice %arg6[%add3A_101, %dma_start3A_102] : memref<40x128xi32, #tpu.memory_space<vmem>> -> memref<1x128xi32, #tpu.memory_space<vmem>>
        %dma_start3A_104 = tpu.memref_squeeze %dma_start3A_103 : memref<1x128xi32, #tpu.memory_space<vmem>> -> memref<128xi32, #tpu.memory_space<vmem>>
        %dma_start3A_105 = arith.constant 0 : i32
        %dma_start3A_106 = arith.constant 0 : i32
        %dma_start3A_107 = tpu.memref_slice %arg2[%dma_start3A_105, %dma_start3A_106] : memref<10240x128xf32, #tpu.memory_space<hbm>> -> memref<10240x128xf32, #tpu.memory_space<hbm>>
        tpu.enqueue_indirect_dma source(%dma_start3A_107 : memref<10240x128xf32, #tpu.memory_space<hbm>>) target(%arg8 : memref<128x128xf32, #tpu.memory_space<vmem>>) offsets(%dma_start3A_104 : memref<128xi32, #tpu.memory_space<vmem>>) semaphore(%arg11 : memref<!tpu.dma_semaphore, #tpu.memory_space<semaphore_mem>>)
      } else {
      }
      %dma_wait3A_80 = arith.constant 0 : i32
      %dma_wait3A_81 = arith.constant 0 : i32
      %dma_wait3A_82 = tpu.memref_slice %arg6[%dma_wait3A_80, %dma_wait3A_81] : memref<40x128xi32, #tpu.memory_space<vmem>> -> memref<1x128xi32, #tpu.memory_space<vmem>>
      %dma_wait3A_83 = tpu.memref_squeeze %dma_wait3A_82 : memref<1x128xi32, #tpu.memory_space<vmem>> -> memref<128xi32, #tpu.memory_space<vmem>>
      %dma_wait3A_84 = arith.constant 0 : i32
      %dma_wait3A_85 = arith.constant 0 : i32
      %dma_wait3A_86 = tpu.memref_slice %arg2[%dma_wait3A_84, %dma_wait3A_85] : memref<10240x128xf32, #tpu.memory_space<hbm>> -> memref<10240x128xf32, #tpu.memory_space<hbm>>
      tpu.wait_indirect_dma semaphore(%arg12 : memref<!tpu.dma_semaphore, #tpu.memory_space<semaphore_mem>>) src(%dma_wait3A_86 : memref<10240x128xf32, #tpu.memory_space<hbm>>) dst(%arg9 : memref<128x128xf32, #tpu.memory_space<vmem>>)
      %add3A_87 = arith.constant 1 : i32
      %add3A_88 = arith.addi %add3A_65, %add3A_87 : i32
      "tpu.region"() ({
        %run_scoped3A = tpu.sem_alloc : memref<!tpu.dma_semaphore, #tpu.memory_space<semaphore_mem>>
        %dma_start3A_98 = arith.constant 0 : i32
        %dma_start3A_99 = tpu.memref_slice %arg7[%add3A_88, %dma_start3A_98] : memref<40x128xi32, #tpu.memory_space<vmem>> -> memref<1x128xi32, #tpu.memory_space<vmem>>
        %dma_start3A_100 = tpu.memref_squeeze %dma_start3A_99 : memref<1x128xi32, #tpu.memory_space<vmem>> -> memref<128xi32, #tpu.memory_space<vmem>>
        %dma_start3A_101 = arith.constant 0 : i32
        %dma_start3A_102 = arith.constant 0 : i32
        %dma_start3A_103 = tpu.memref_slice %arg10[%dma_start3A_101, %dma_start3A_102] : memref<10240x128xf32, #tpu.memory_space<vmem_shared>> -> memref<10240x128xf32, #tpu.memory_space<vmem_shared>>
        tpu.enqueue_indirect_dma source(%arg9 : memref<128x128xf32, #tpu.memory_space<vmem>>) target(%dma_start3A_103 : memref<10240x128xf32, #tpu.memory_space<vmem_shared>>) offsets(%dma_start3A_100 : memref<128xi32, #tpu.memory_space<vmem>>) semaphore(%run_scoped3A : memref<!tpu.dma_semaphore, #tpu.memory_space<semaphore_mem>>) {add = true}
        %dma_wait3A_104 = arith.constant 0 : i32
        %dma_wait3A_105 = tpu.memref_slice %arg7[%add3A_88, %dma_wait3A_104] : memref<40x128xi32, #tpu.memory_space<vmem>> -> memref<1x128xi32, #tpu.memory_space<vmem>>
        %dma_wait3A_106 = tpu.memref_squeeze %dma_wait3A_105 : memref<1x128xi32, #tpu.memory_space<vmem>> -> memref<128xi32, #tpu.memory_space<vmem>>
        %dma_wait3A_107 = arith.constant 0 : i32
        %dma_wait3A_108 = arith.constant 0 : i32
        %dma_wait3A_109 = tpu.memref_slice %arg10[%dma_wait3A_107, %dma_wait3A_108] : memref<10240x128xf32, #tpu.memory_space<vmem_shared>> -> memref<10240x128xf32, #tpu.memory_space<vmem_shared>>
        tpu.wait_indirect_dma semaphore(%run_scoped3A : memref<!tpu.dma_semaphore, #tpu.memory_space<semaphore_mem>>) src(%arg9 : memref<128x128xf32, #tpu.memory_space<vmem>>) dst(%dma_wait3A_109 : memref<10240x128xf32, #tpu.memory_space<vmem_shared>>)
        tpu.yield
      }) : () -> ()
      %add3A_89 = arith.constant 1 : i32
      %add3A_90 = arith.addi %add3A_65, %add3A_89 : i32
      %add3A_91 = arith.constant 2 : i32
      %add3A_92 = arith.addi %add3A_90, %add3A_91 : i32
      %lt3A_93 = arith.constant 40 : i32
      %lt3A_94 = arith.cmpi slt, %add3A_92, %lt3A_93 : i32
      %convert_element_type3A_95 = arith.extui %lt3A_94 : i1 to i32
      %cond3A_96 = arith.constant 0 : i32
      %cond3A_97 = arith.cmpi ne, %convert_element_type3A_95, %cond3A_96 : i32
      scf.if %cond3A_97 {
        %add3A_98 = arith.constant 1 : i32
        %add3A_99 = arith.addi %add3A_65, %add3A_98 : i32
        %add3A_100 = arith.constant 2 : i32
        %add3A_101 = arith.addi %add3A_99, %add3A_100 : i32
        %dma_start3A_102 = arith.constant 0 : i32
        %dma_start3A_103 = tpu.memref_slice %arg6[%add3A_101, %dma_start3A_102] : memref<40x128xi32, #tpu.memory_space<vmem>> -> memref<1x128xi32, #tpu.memory_space<vmem>>
        %dma_start3A_104 = tpu.memref_squeeze %dma_start3A_103 : memref<1x128xi32, #tpu.memory_space<vmem>> -> memref<128xi32, #tpu.memory_space<vmem>>
        %dma_start3A_105 = arith.constant 0 : i32
        %dma_start3A_106 = arith.constant 0 : i32
        %dma_start3A_107 = tpu.memref_slice %arg2[%dma_start3A_105, %dma_start3A_106] : memref<10240x128xf32, #tpu.memory_space<hbm>> -> memref<10240x128xf32, #tpu.memory_space<hbm>>
        tpu.enqueue_indirect_dma source(%dma_start3A_107 : memref<10240x128xf32, #tpu.memory_space<hbm>>) target(%arg9 : memref<128x128xf32, #tpu.memory_space<vmem>>) offsets(%dma_start3A_104 : memref<128xi32, #tpu.memory_space<vmem>>) semaphore(%arg12 : memref<!tpu.dma_semaphore, #tpu.memory_space<semaphore_mem>>)
      } else {
      }
    }
    %scan3A_32 = arith.constant 20 : i32
    %mul3A_33 = arith.constant 80 : i32
    %mul3A_34 = arith.muli %add3A, %mul3A_33 : i32
    %add3A_35 = arith.constant 40 : i32
    %add3A_36 = arith.addi %mul3A_34, %add3A_35 : i32
    "tpu.region"() ({
      %run_scoped3A = tpu.sem_alloc : memref<!tpu.dma_semaphore, #tpu.memory_space<semaphore_mem>>
      %dma_start3A_61 = arith.constant 0 : i32
      %dma_start3A_62 = tpu.memref_slice %arg3[%add3A_36, %dma_start3A_61] : memref<2560x128xi32, #tpu.memory_space<hbm>> -> memref<40x128xi32, #tpu.memory_space<hbm>>
      %dma_start3A_63 = arith.constant 0 : i32
      %dma_start3A_64 = tpu.memref_slice %arg3[%add3A_36, %dma_start3A_63] : memref<2560x128xi32, #tpu.memory_space<hbm>> -> memref<40x128xi32, #tpu.memory_space<hbm>>
      tpu.enqueue_dma source(%dma_start3A_64 : memref<40x128xi32, #tpu.memory_space<hbm>>) target(%arg6 : memref<40x128xi32, #tpu.memory_space<vmem>>) target_semaphore(%run_scoped3A : memref<!tpu.dma_semaphore, #tpu.memory_space<semaphore_mem>>)
      %dma_wait3A = arith.constant 0 : i32
      %dma_wait3A_65 = tpu.memref_slice %arg3[%add3A_36, %dma_wait3A] : memref<2560x128xi32, #tpu.memory_space<hbm>> -> memref<40x128xi32, #tpu.memory_space<hbm>>
      %dma_wait3A_66 = arith.constant 0 : i32
      %dma_wait3A_67 = tpu.memref_slice %arg3[%add3A_36, %dma_wait3A_66] : memref<2560x128xi32, #tpu.memory_space<hbm>> -> memref<40x128xi32, #tpu.memory_space<hbm>>
      tpu.wait_dma2 semaphore(%run_scoped3A : memref<!tpu.dma_semaphore, #tpu.memory_space<semaphore_mem>>) src(%dma_wait3A_67 : memref<40x128xi32, #tpu.memory_space<hbm>>) dst(%arg6 : memref<40x128xi32, #tpu.memory_space<vmem>>)
      tpu.yield
    }) : () -> ()
    "tpu.region"() ({
      %run_scoped3A = tpu.sem_alloc : memref<!tpu.dma_semaphore, #tpu.memory_space<semaphore_mem>>
      %dma_start3A_61 = arith.constant 0 : i32
      %dma_start3A_62 = tpu.memref_slice %arg4[%add3A_36, %dma_start3A_61] : memref<2560x128xi32, #tpu.memory_space<hbm>> -> memref<40x128xi32, #tpu.memory_space<hbm>>
      %dma_start3A_63 = arith.constant 0 : i32
      %dma_start3A_64 = tpu.memref_slice %arg4[%add3A_36, %dma_start3A_63] : memref<2560x128xi32, #tpu.memory_space<hbm>> -> memref<40x128xi32, #tpu.memory_space<hbm>>
      tpu.enqueue_dma source(%dma_start3A_64 : memref<40x128xi32, #tpu.memory_space<hbm>>) target(%arg7 : memref<40x128xi32, #tpu.memory_space<vmem>>) target_semaphore(%run_scoped3A : memref<!tpu.dma_semaphore, #tpu.memory_space<semaphore_mem>>)
      %dma_wait3A = arith.constant 0 : i32
      %dma_wait3A_65 = tpu.memref_slice %arg4[%add3A_36, %dma_wait3A] : memref<2560x128xi32, #tpu.memory_space<hbm>> -> memref<40x128xi32, #tpu.memory_space<hbm>>
      %dma_wait3A_66 = arith.constant 0 : i32
      %dma_wait3A_67 = tpu.memref_slice %arg4[%add3A_36, %dma_wait3A_66] : memref<2560x128xi32, #tpu.memory_space<hbm>> -> memref<40x128xi32, #tpu.memory_space<hbm>>
      tpu.wait_dma2 semaphore(%run_scoped3A : memref<!tpu.dma_semaphore, #tpu.memory_space<semaphore_mem>>) src(%dma_wait3A_67 : memref<40x128xi32, #tpu.memory_space<hbm>>) dst(%arg7 : memref<40x128xi32, #tpu.memory_space<vmem>>)
      tpu.yield
    }) : () -> ()
    %dma_start3A_37 = arith.constant 0 : i32
    %dma_start3A_38 = arith.constant 0 : i32
    %dma_start3A_39 = tpu.memref_slice %arg6[%dma_start3A_37, %dma_start3A_38] : memref<40x128xi32, #tpu.memory_space<vmem>> -> memref<1x128xi32, #tpu.memory_space<vmem>>
    %dma_start3A_40 = tpu.memref_squeeze %dma_start3A_39 : memref<1x128xi32, #tpu.memory_space<vmem>> -> memref<128xi32, #tpu.memory_space<vmem>>
    %dma_start3A_41 = arith.constant 0 : i32
    %dma_start3A_42 = arith.constant 0 : i32
    %dma_start3A_43 = tpu.memref_slice %arg2[%dma_start3A_41, %dma_start3A_42] : memref<10240x128xf32, #tpu.memory_space<hbm>> -> memref<10240x128xf32, #tpu.memory_space<hbm>>
    tpu.enqueue_indirect_dma source(%dma_start3A_43 : memref<10240x128xf32, #tpu.memory_space<hbm>>) target(%arg8 : memref<128x128xf32, #tpu.memory_space<vmem>>) offsets(%dma_start3A_40 : memref<128xi32, #tpu.memory_space<vmem>>) semaphore(%arg11 : memref<!tpu.dma_semaphore, #tpu.memory_space<semaphore_mem>>)
    %dma_start3A_44 = arith.constant 1 : i32
    %dma_start3A_45 = arith.constant 0 : i32
    %dma_start3A_46 = tpu.memref_slice %arg6[%dma_start3A_44, %dma_start3A_45] : memref<40x128xi32, #tpu.memory_space<vmem>> -> memref<1x128xi32, #tpu.memory_space<vmem>>
    %dma_start3A_47 = tpu.memref_squeeze %dma_start3A_46 : memref<1x128xi32, #tpu.memory_space<vmem>> -> memref<128xi32, #tpu.memory_space<vmem>>
    %dma_start3A_48 = arith.constant 0 : i32
    %dma_start3A_49 = arith.constant 0 : i32
    %dma_start3A_50 = tpu.memref_slice %arg2[%dma_start3A_48, %dma_start3A_49] : memref<10240x128xf32, #tpu.memory_space<hbm>> -> memref<10240x128xf32, #tpu.memory_space<hbm>>
    tpu.enqueue_indirect_dma source(%dma_start3A_50 : memref<10240x128xf32, #tpu.memory_space<hbm>>) target(%arg9 : memref<128x128xf32, #tpu.memory_space<vmem>>) offsets(%dma_start3A_47 : memref<128xi32, #tpu.memory_space<vmem>>) semaphore(%arg12 : memref<!tpu.dma_semaphore, #tpu.memory_space<semaphore_mem>>)
    %scan3A_51 = arith.constant 0 : i32
    %scan3A_52 = arith.constant 20 : i32
    %scan3A_53 = arith.addi %scan3A_51, %scan3A_52 : i32
    %scan3A_54 = arith.constant 1 : i32
    scf.for %scan3A_61 = %scan3A_51 to %scan3A_53 step %scan3A_54  : i32 {
      %mul3A_62 = arith.constant 2 : i32
      %mul3A_63 = arith.muli %scan3A_61, %mul3A_62 : i32
      %add3A_64 = arith.constant 0 : i32
      %add3A_65 = arith.addi %add3A_64, %mul3A_63 : i32
      %dma_wait3A = arith.constant 0 : i32
      %dma_wait3A_66 = arith.constant 0 : i32
      %dma_wait3A_67 = tpu.memref_slice %arg6[%dma_wait3A, %dma_wait3A_66] : memref<40x128xi32, #tpu.memory_space<vmem>> -> memref<1x128xi32, #tpu.memory_space<vmem>>
      %dma_wait3A_68 = tpu.memref_squeeze %dma_wait3A_67 : memref<1x128xi32, #tpu.memory_space<vmem>> -> memref<128xi32, #tpu.memory_space<vmem>>
      %dma_wait3A_69 = arith.constant 0 : i32
      %dma_wait3A_70 = arith.constant 0 : i32
      %dma_wait3A_71 = tpu.memref_slice %arg2[%dma_wait3A_69, %dma_wait3A_70] : memref<10240x128xf32, #tpu.memory_space<hbm>> -> memref<10240x128xf32, #tpu.memory_space<hbm>>
      tpu.wait_indirect_dma semaphore(%arg11 : memref<!tpu.dma_semaphore, #tpu.memory_space<semaphore_mem>>) src(%dma_wait3A_71 : memref<10240x128xf32, #tpu.memory_space<hbm>>) dst(%arg8 : memref<128x128xf32, #tpu.memory_space<vmem>>)
      %add3A_72 = arith.constant 0 : i32
      %add3A_73 = arith.addi %add3A_65, %add3A_72 : i32
      "tpu.region"() ({
        %run_scoped3A = tpu.sem_alloc : memref<!tpu.dma_semaphore, #tpu.memory_space<semaphore_mem>>
        %dma_start3A_98 = arith.constant 0 : i32
        %dma_start3A_99 = tpu.memref_slice %arg7[%add3A_73, %dma_start3A_98] : memref<40x128xi32, #tpu.memory_space<vmem>> -> memref<1x128xi32, #tpu.memory_space<vmem>>
        %dma_start3A_100 = tpu.memref_squeeze %dma_start3A_99 : memref<1x128xi32, #tpu.memory_space<vmem>> -> memref<128xi32, #tpu.memory_space<vmem>>
        %dma_start3A_101 = arith.constant 0 : i32
        %dma_start3A_102 = arith.constant 0 : i32
        %dma_start3A_103 = tpu.memref_slice %arg10[%dma_start3A_101, %dma_start3A_102] : memref<10240x128xf32, #tpu.memory_space<vmem_shared>> -> memref<10240x128xf32, #tpu.memory_space<vmem_shared>>
        tpu.enqueue_indirect_dma source(%arg8 : memref<128x128xf32, #tpu.memory_space<vmem>>) target(%dma_start3A_103 : memref<10240x128xf32, #tpu.memory_space<vmem_shared>>) offsets(%dma_start3A_100 : memref<128xi32, #tpu.memory_space<vmem>>) semaphore(%run_scoped3A : memref<!tpu.dma_semaphore, #tpu.memory_space<semaphore_mem>>) {add = true}
        %dma_wait3A_104 = arith.constant 0 : i32
        %dma_wait3A_105 = tpu.memref_slice %arg7[%add3A_73, %dma_wait3A_104] : memref<40x128xi32, #tpu.memory_space<vmem>> -> memref<1x128xi32, #tpu.memory_space<vmem>>
        %dma_wait3A_106 = tpu.memref_squeeze %dma_wait3A_105 : memref<1x128xi32, #tpu.memory_space<vmem>> -> memref<128xi32, #tpu.memory_space<vmem>>
        %dma_wait3A_107 = arith.constant 0 : i32
        %dma_wait3A_108 = arith.constant 0 : i32
        %dma_wait3A_109 = tpu.memref_slice %arg10[%dma_wait3A_107, %dma_wait3A_108] : memref<10240x128xf32, #tpu.memory_space<vmem_shared>> -> memref<10240x128xf32, #tpu.memory_space<vmem_shared>>
        tpu.wait_indirect_dma semaphore(%run_scoped3A : memref<!tpu.dma_semaphore, #tpu.memory_space<semaphore_mem>>) src(%arg8 : memref<128x128xf32, #tpu.memory_space<vmem>>) dst(%dma_wait3A_109 : memref<10240x128xf32, #tpu.memory_space<vmem_shared>>)
        tpu.yield
      }) : () -> ()
      %add3A_74 = arith.constant 0 : i32
      %add3A_75 = arith.addi %add3A_65, %add3A_74 : i32
      %add3A_76 = arith.constant 2 : i32
      %add3A_77 = arith.addi %add3A_75, %add3A_76 : i32
      %lt3A = arith.constant 40 : i32
      %lt3A_78 = arith.cmpi slt, %add3A_77, %lt3A : i32
      %convert_element_type3A = arith.extui %lt3A_78 : i1 to i32
      %cond3A = arith.constant 0 : i32
      %cond3A_79 = arith.cmpi ne, %convert_element_type3A, %cond3A : i32
      scf.if %cond3A_79 {
        %add3A_98 = arith.constant 0 : i32
        %add3A_99 = arith.addi %add3A_65, %add3A_98 : i32
        %add3A_100 = arith.constant 2 : i32
        %add3A_101 = arith.addi %add3A_99, %add3A_100 : i32
        %dma_start3A_102 = arith.constant 0 : i32
        %dma_start3A_103 = tpu.memref_slice %arg6[%add3A_101, %dma_start3A_102] : memref<40x128xi32, #tpu.memory_space<vmem>> -> memref<1x128xi32, #tpu.memory_space<vmem>>
        %dma_start3A_104 = tpu.memref_squeeze %dma_start3A_103 : memref<1x128xi32, #tpu.memory_space<vmem>> -> memref<128xi32, #tpu.memory_space<vmem>>
        %dma_start3A_105 = arith.constant 0 : i32
        %dma_start3A_106 = arith.constant 0 : i32
        %dma_start3A_107 = tpu.memref_slice %arg2[%dma_start3A_105, %dma_start3A_106] : memref<10240x128xf32, #tpu.memory_space<hbm>> -> memref<10240x128xf32, #tpu.memory_space<hbm>>
        tpu.enqueue_indirect_dma source(%dma_start3A_107 : memref<10240x128xf32, #tpu.memory_space<hbm>>) target(%arg8 : memref<128x128xf32, #tpu.memory_space<vmem>>) offsets(%dma_start3A_104 : memref<128xi32, #tpu.memory_space<vmem>>) semaphore(%arg11 : memref<!tpu.dma_semaphore, #tpu.memory_space<semaphore_mem>>)
      } else {
      }
      %dma_wait3A_80 = arith.constant 0 : i32
      %dma_wait3A_81 = arith.constant 0 : i32
      %dma_wait3A_82 = tpu.memref_slice %arg6[%dma_wait3A_80, %dma_wait3A_81] : memref<40x128xi32, #tpu.memory_space<vmem>> -> memref<1x128xi32, #tpu.memory_space<vmem>>
      %dma_wait3A_83 = tpu.memref_squeeze %dma_wait3A_82 : memref<1x128xi32, #tpu.memory_space<vmem>> -> memref<128xi32, #tpu.memory_space<vmem>>
      %dma_wait3A_84 = arith.constant 0 : i32
      %dma_wait3A_85 = arith.constant 0 : i32
      %dma_wait3A_86 = tpu.memref_slice %arg2[%dma_wait3A_84, %dma_wait3A_85] : memref<10240x128xf32, #tpu.memory_space<hbm>> -> memref<10240x128xf32, #tpu.memory_space<hbm>>
      tpu.wait_indirect_dma semaphore(%arg12 : memref<!tpu.dma_semaphore, #tpu.memory_space<semaphore_mem>>) src(%dma_wait3A_86 : memref<10240x128xf32, #tpu.memory_space<hbm>>) dst(%arg9 : memref<128x128xf32, #tpu.memory_space<vmem>>)
      %add3A_87 = arith.constant 1 : i32
      %add3A_88 = arith.addi %add3A_65, %add3A_87 : i32
      "tpu.region"() ({
        %run_scoped3A = tpu.sem_alloc : memref<!tpu.dma_semaphore, #tpu.memory_space<semaphore_mem>>
        %dma_start3A_98 = arith.constant 0 : i32
        %dma_start3A_99 = tpu.memref_slice %arg7[%add3A_88, %dma_start3A_98] : memref<40x128xi32, #tpu.memory_space<vmem>> -> memref<1x128xi32, #tpu.memory_space<vmem>>
        %dma_start3A_100 = tpu.memref_squeeze %dma_start3A_99 : memref<1x128xi32, #tpu.memory_space<vmem>> -> memref<128xi32, #tpu.memory_space<vmem>>
        %dma_start3A_101 = arith.constant 0 : i32
        %dma_start3A_102 = arith.constant 0 : i32
        %dma_start3A_103 = tpu.memref_slice %arg10[%dma_start3A_101, %dma_start3A_102] : memref<10240x128xf32, #tpu.memory_space<vmem_shared>> -> memref<10240x128xf32, #tpu.memory_space<vmem_shared>>
        tpu.enqueue_indirect_dma source(%arg9 : memref<128x128xf32, #tpu.memory_space<vmem>>) target(%dma_start3A_103 : memref<10240x128xf32, #tpu.memory_space<vmem_shared>>) offsets(%dma_start3A_100 : memref<128xi32, #tpu.memory_space<vmem>>) semaphore(%run_scoped3A : memref<!tpu.dma_semaphore, #tpu.memory_space<semaphore_mem>>) {add = true}
        %dma_wait3A_104 = arith.constant 0 : i32
        %dma_wait3A_105 = tpu.memref_slice %arg7[%add3A_88, %dma_wait3A_104] : memref<40x128xi32, #tpu.memory_space<vmem>> -> memref<1x128xi32, #tpu.memory_space<vmem>>
        %dma_wait3A_106 = tpu.memref_squeeze %dma_wait3A_105 : memref<1x128xi32, #tpu.memory_space<vmem>> -> memref<128xi32, #tpu.memory_space<vmem>>
        %dma_wait3A_107 = arith.constant 0 : i32
        %dma_wait3A_108 = arith.constant 0 : i32
        %dma_wait3A_109 = tpu.memref_slice %arg10[%dma_wait3A_107, %dma_wait3A_108] : memref<10240x128xf32, #tpu.memory_space<vmem_shared>> -> memref<10240x128xf32, #tpu.memory_space<vmem_shared>>
        tpu.wait_indirect_dma semaphore(%run_scoped3A : memref<!tpu.dma_semaphore, #tpu.memory_space<semaphore_mem>>) src(%arg9 : memref<128x128xf32, #tpu.memory_space<vmem>>) dst(%dma_wait3A_109 : memref<10240x128xf32, #tpu.memory_space<vmem_shared>>)
        tpu.yield
      }) : () -> ()
      %add3A_89 = arith.constant 1 : i32
      %add3A_90 = arith.addi %add3A_65, %add3A_89 : i32
      %add3A_91 = arith.constant 2 : i32
      %add3A_92 = arith.addi %add3A_90, %add3A_91 : i32
      %lt3A_93 = arith.constant 40 : i32
      %lt3A_94 = arith.cmpi slt, %add3A_92, %lt3A_93 : i32
      %convert_element_type3A_95 = arith.extui %lt3A_94 : i1 to i32
      %cond3A_96 = arith.constant 0 : i32
      %cond3A_97 = arith.cmpi ne, %convert_element_type3A_95, %cond3A_96 : i32
      scf.if %cond3A_97 {
        %add3A_98 = arith.constant 1 : i32
        %add3A_99 = arith.addi %add3A_65, %add3A_98 : i32
        %add3A_100 = arith.constant 2 : i32
        %add3A_101 = arith.addi %add3A_99, %add3A_100 : i32
        %dma_start3A_102 = arith.constant 0 : i32
        %dma_start3A_103 = tpu.memref_slice %arg6[%add3A_101, %dma_start3A_102] : memref<40x128xi32, #tpu.memory_space<vmem>> -> memref<1x128xi32, #tpu.memory_space<vmem>>
        %dma_start3A_104 = tpu.memref_squeeze %dma_start3A_103 : memref<1x128xi32, #tpu.memory_space<vmem>> -> memref<128xi32, #tpu.memory_space<vmem>>
        %dma_start3A_105 = arith.constant 0 : i32
        %dma_start3A_106 = arith.constant 0 : i32
        %dma_start3A_107 = tpu.memref_slice %arg2[%dma_start3A_105, %dma_start3A_106] : memref<10240x128xf32, #tpu.memory_space<hbm>> -> memref<10240x128xf32, #tpu.memory_space<hbm>>
        tpu.enqueue_indirect_dma source(%dma_start3A_107 : memref<10240x128xf32, #tpu.memory_space<hbm>>) target(%arg9 : memref<128x128xf32, #tpu.memory_space<vmem>>) offsets(%dma_start3A_104 : memref<128xi32, #tpu.memory_space<vmem>>) semaphore(%arg12 : memref<!tpu.dma_semaphore, #tpu.memory_space<semaphore_mem>>)
      } else {
      }
    }
    %scan3A_55 = arith.constant 20 : i32
    %barrier3A_56 = arith.constant 0 : index
    tpu.barrier barrier_id(%barrier3A_56)
    %mul3A_57 = arith.constant 640 : i32
    %mul3A_58 = arith.muli %arg1, %mul3A_57 : i32
    %mul3A_59 = arith.constant 640 : i32
    %mul3A_60 = arith.muli %arg1, %mul3A_59 : i32
    "tpu.region"() ({
      %run_scoped3A = tpu.sem_alloc : memref<!tpu.dma_semaphore, #tpu.memory_space<semaphore_mem>>
      %dma_start3A_61 = arith.constant 0 : i32
      %dma_start3A_62 = tpu.memref_slice %arg5[%arg0, %mul3A_60, %dma_start3A_61] : memref<2x10240x128xf32, #tpu.memory_space<hbm>> -> memref<1x640x128xf32, #tpu.memory_space<hbm>>
      %dma_start3A_63 = tpu.memref_squeeze %dma_start3A_62 : memref<1x640x128xf32, #tpu.memory_space<hbm>> -> memref<640x128xf32, #tpu.memory_space<hbm>>
      %dma_start3A_64 = arith.constant 0 : i32
      %dma_start3A_65 = tpu.memref_slice %arg10[%mul3A_58, %dma_start3A_64] : memref<10240x128xf32, #tpu.memory_space<vmem_shared>> -> memref<640x128xf32, #tpu.memory_space<vmem_shared>>
      tpu.enqueue_dma source(%dma_start3A_65 : memref<640x128xf32, #tpu.memory_space<vmem_shared>>) target(%dma_start3A_63 : memref<640x128xf32, #tpu.memory_space<hbm>>) target_semaphore(%run_scoped3A : memref<!tpu.dma_semaphore, #tpu.memory_space<semaphore_mem>>)
      %dma_wait3A = arith.constant 0 : i32
      %dma_wait3A_66 = tpu.memref_slice %arg5[%arg0, %mul3A_60, %dma_wait3A] : memref<2x10240x128xf32, #tpu.memory_space<hbm>> -> memref<1x640x128xf32, #tpu.memory_space<hbm>>
      %dma_wait3A_67 = tpu.memref_squeeze %dma_wait3A_66 : memref<1x640x128xf32, #tpu.memory_space<hbm>> -> memref<640x128xf32, #tpu.memory_space<hbm>>
      %dma_wait3A_68 = arith.constant 0 : i32
      %dma_wait3A_69 = tpu.memref_slice %arg10[%mul3A_58, %dma_wait3A_68] : memref<10240x128xf32, #tpu.memory_space<vmem_shared>> -> memref<640x128xf32, #tpu.memory_space<vmem_shared>>
      tpu.wait_dma2 semaphore(%run_scoped3A : memref<!tpu.dma_semaphore, #tpu.memory_space<semaphore_mem>>) src(%dma_wait3A_69 : memref<640x128xf32, #tpu.memory_space<vmem_shared>>) dst(%dma_wait3A_67 : memref<640x128xf32, #tpu.memory_space<hbm>>)
      tpu.yield
    }) : () -> ()
    return
  }
}

module attributes {stable_mosaic.version = 14 : i64} {
  func.func @body(%arg0: i32, %arg1: memref<1x2500x128xi32, #tpu.memory_space<vmem>>, %arg2: memref<1x2500x128xi32, #tpu.memory_space<vmem>>, %arg3: memref<2560x128xi32, #tpu.memory_space<vmem>>, %arg4: memref<2560x128xi32, #tpu.memory_space<vmem>>) attributes {dimension_semantics = [#tpu.dimension_semantics<arbitrary>], iteration_bounds = array<i64: 1>, scalar_prefetch = 0 : i64, scratch_operands = 0 : i64, tpu.core_type = #tpu.core_type<tc>, window_params = [{transform_indices = @transform_0, window_bounds = array<i64: 1, 2500, 128>}, {transform_indices = @transform_1, window_bounds = array<i64: 1, 2500, 128>}, {pipeline_mode = #tpu.pipeline_mode<synchronous>, transform_indices = @transform_2, window_bounds = array<i64: 2560, 128>}, {pipeline_mode = #tpu.pipeline_mode<synchronous>, transform_indices = @transform_3, window_bounds = array<i64: 2560, 128>}]} {
    %get3A = arith.constant 0 : index
    %get3A_0 = arith.constant 0 : index
    %get3A_1 = arith.constant 0 : index
    %get3A_2 = vector.load %arg1[%get3A, %get3A_0, %get3A_1] : memref<1x2500x128xi32, #tpu.memory_space<vmem>>, vector<1x2500x128xi32>
    %get3A_3 = vector.shape_cast %get3A_2 : vector<1x2500x128xi32> to vector<2500x128xi32>
    %swap3A = arith.constant 0 : index
    %swap3A_4 = arith.constant 0 : index
    %swap3A_5 = vector.load %arg3[%swap3A, %swap3A_4] : memref<2560x128xi32, #tpu.memory_space<vmem>>, vector<2500x128xi32>
    tpu.vector_store %arg3[%swap3A, %swap3A_4], %get3A_3 {strides = array<i32>} : memref<2560x128xi32, #tpu.memory_space<vmem>>, vector<2500x128xi32>,
    %get3A_6 = arith.constant 0 : index
    %get3A_7 = arith.constant 0 : index
    %get3A_8 = arith.constant 0 : index
    %get3A_9 = vector.load %arg2[%get3A_6, %get3A_7, %get3A_8] : memref<1x2500x128xi32, #tpu.memory_space<vmem>>, vector<1x2500x128xi32>
    %get3A_10 = vector.shape_cast %get3A_9 : vector<1x2500x128xi32> to vector<2500x128xi32>
    %swap3A_11 = arith.constant 0 : index
    %swap3A_12 = arith.constant 0 : index
    %swap3A_13 = vector.load %arg4[%swap3A_11, %swap3A_12] : memref<2560x128xi32, #tpu.memory_space<vmem>>, vector<2500x128xi32>
    tpu.vector_store %arg4[%swap3A_11, %swap3A_12], %get3A_10 {strides = array<i32>} : memref<2560x128xi32, #tpu.memory_space<vmem>>, vector<2500x128xi32>,
    %iota3A = tpu.iota {dimensions = array<i32: 0>} : vector<60x128xi32>
    %mul3A = arith.constant 128 : i32
    %mul3A_14 = vector.broadcast %mul3A : i32 to vector<60x128xi32>
    %mul3A_15 = arith.muli %iota3A, %mul3A_14 : vector<60x128xi32>
    %iota3A_16 = tpu.iota {dimensions = array<i32: 1>} : vector<60x128xi32>
    %add3A = arith.addi %mul3A_15, %iota3A_16 : vector<60x128xi32>
    %jit3A = arith.constant 10000 : i32
    %eq3A = arith.constant 0 : i32
    %eq3A_17 = arith.cmpi eq, %jit3A, %eq3A : i32
    %jit3A_18 = arith.constant 1 : i32
    %select_n3A = arith.select %eq3A_17, %jit3A_18, %jit3A : i32
    %rem3A = vector.broadcast %select_n3A : i32 to vector<60x128xi32>
    %rem3A_19 = arith.remsi %add3A, %rem3A : vector<60x128xi32>
    %ne3A = arith.constant 0 : i32
    %ne3A_20 = vector.broadcast %ne3A : i32 to vector<60x128xi32>
    %ne3A_21 = arith.cmpi ne, %rem3A_19, %ne3A_20 : vector<60x128xi32>
    %lt3A = arith.constant 0 : i32
    %lt3A_22 = vector.broadcast %lt3A : i32 to vector<60x128xi32>
    %lt3A_23 = arith.cmpi slt, %rem3A_19, %lt3A_22 : vector<60x128xi32>
    %lt3A_24 = arith.constant 0 : i32
    %lt3A_25 = arith.cmpi slt, %select_n3A, %lt3A_24 : i32
    %ne3A_26 = vector.broadcast %lt3A_25 : i1 to vector<60x128xi1>
    %ne3A_27 = vector.broadcast %ne3A_26 : vector<60x128xi1> to vector<60x128xi1>
    %ne3A_28 = arith.xori %lt3A_23, %ne3A_27 : vector<60x128xi1>
    %and3A = arith.andi %ne3A_28, %ne3A_21 : vector<60x128xi1>
    %add3A_29 = vector.broadcast %select_n3A : i32 to vector<60x128xi32>
    %add3A_30 = arith.addi %rem3A_19, %add3A_29 : vector<60x128xi32>
    %select_n3A_31 = arith.select %and3A, %add3A_30, %rem3A_19 : vector<60x128xi1>, vector<60x128xi32>
    %swap3A_32 = arith.constant 2500 : index
    %swap3A_33 = arith.constant 0 : index
    %swap3A_34 = vector.load %arg3[%swap3A_32, %swap3A_33] : memref<2560x128xi32, #tpu.memory_space<vmem>>, vector<60x128xi32>
    tpu.vector_store %arg3[%swap3A_32, %swap3A_33], %select_n3A_31 {strides = array<i32>} : memref<2560x128xi32, #tpu.memory_space<vmem>>, vector<60x128xi32>,
    %jit3A_35 = arith.constant 240 : i32
    %eq3A_36 = arith.constant 0 : i32
    %eq3A_37 = arith.cmpi eq, %jit3A_35, %eq3A_36 : i32
    %jit3A_38 = arith.constant 1 : i32
    %select_n3A_39 = arith.select %eq3A_37, %jit3A_38, %jit3A_35 : i32
    %rem3A_40 = vector.broadcast %select_n3A_39 : i32 to vector<60x128xi32>
    %rem3A_41 = arith.remsi %add3A, %rem3A_40 : vector<60x128xi32>
    %ne3A_42 = arith.constant 0 : i32
    %ne3A_43 = vector.broadcast %ne3A_42 : i32 to vector<60x128xi32>
    %ne3A_44 = arith.cmpi ne, %rem3A_41, %ne3A_43 : vector<60x128xi32>
    %lt3A_45 = arith.constant 0 : i32
    %lt3A_46 = vector.broadcast %lt3A_45 : i32 to vector<60x128xi32>
    %lt3A_47 = arith.cmpi slt, %rem3A_41, %lt3A_46 : vector<60x128xi32>
    %lt3A_48 = arith.constant 0 : i32
    %lt3A_49 = arith.cmpi slt, %select_n3A_39, %lt3A_48 : i32
    %ne3A_50 = vector.broadcast %lt3A_49 : i1 to vector<60x128xi1>
    %ne3A_51 = vector.broadcast %ne3A_50 : vector<60x128xi1> to vector<60x128xi1>
    %ne3A_52 = arith.xori %lt3A_47, %ne3A_51 : vector<60x128xi1>
    %and3A_53 = arith.andi %ne3A_52, %ne3A_44 : vector<60x128xi1>
    %add3A_54 = vector.broadcast %select_n3A_39 : i32 to vector<60x128xi32>
    %add3A_55 = arith.addi %rem3A_41, %add3A_54 : vector<60x128xi32>
    %select_n3A_56 = arith.select %and3A_53, %add3A_55, %rem3A_41 : vector<60x128xi1>, vector<60x128xi32>
    %add3A_57 = arith.constant 10000 : i32
    %add3A_58 = vector.broadcast %add3A_57 : i32 to vector<60x128xi32>
    %add3A_59 = arith.addi %add3A_58, %select_n3A_56 : vector<60x128xi32>
    %swap3A_60 = arith.constant 2500 : index
    %swap3A_61 = arith.constant 0 : index
    %swap3A_62 = vector.load %arg4[%swap3A_60, %swap3A_61] : memref<2560x128xi32, #tpu.memory_space<vmem>>, vector<60x128xi32>
    tpu.vector_store %arg4[%swap3A_60, %swap3A_61], %add3A_59 {strides = array<i32>} : memref<2560x128xi32, #tpu.memory_space<vmem>>, vector<60x128xi32>,
    return
  }
  func.func @transform_0(%arg0: i32) -> (i32, i32, i32) {
    %c0_i32 = arith.constant 0 : i32
    %c0_i32_0 = arith.constant 0 : i32
    %c0_i32_1 = arith.constant 0 : i32
    %c0_i32_2 = arith.constant 0 : i32
    return %c0_i32, %c0_i32_0, %c0_i32_1 : i32, i32, i32
  }
  func.func @transform_1(%arg0: i32) -> (i32, i32, i32) {
    %c1_i32 = arith.constant 1 : i32
    %c0_i32 = arith.constant 0 : i32
    %c0_i32_0 = arith.constant 0 : i32
    %c0_i32_1 = arith.constant 0 : i32
    return %c1_i32, %c0_i32, %c0_i32_0 : i32, i32, i32
  }
  func.func @transform_2(%arg0: i32) -> (i32, i32) {
    %c0_i32 = arith.constant 0 : i32
    %c0_i32_0 = arith.constant 0 : i32
    %c0_i32_1 = arith.constant 0 : i32
    return %c0_i32, %c0_i32_0 : i32, i32
  }
  func.func @transform_3(%arg0: i32) -> (i32, i32) {
    %c0_i32 = arith.constant 0 : i32
    %c0_i32_0 = arith.constant 0 : i32
    %c0_i32_1 = arith.constant 0 : i32
    return %c0_i32, %c0_i32_0 : i32, i32
  }
}

module attributes {stable_mosaic.version = 14 : i64} {
  func.func @body(%arg0: i32, %arg1: memref<2048x128xf32, #tpu.memory_space<vmem>>, %arg2: memref<128x128xf32, #tpu.memory_space<vmem>>, %arg3: memref<2048x128xf32, #tpu.memory_space<vmem>>) attributes {dimension_semantics = [#tpu.dimension_semantics<arbitrary>], iteration_bounds = array<i64: 5>, scalar_prefetch = 0 : i64, scratch_operands = 0 : i64, tpu.core_type = #tpu.core_type<tc>, window_params = [{transform_indices = @transform_0, window_bounds = array<i64: 2048, 128>}, {pipeline_mode = #tpu.pipeline_mode<synchronous>, transform_indices = @transform_1, window_bounds = array<i64: 128, 128>}, {transform_indices = @transform_2, window_bounds = array<i64: 2048, 128>}]} {
    %get3A = arith.constant 0 : index
    %get3A_0 = arith.constant 0 : index
    %get3A_1 = vector.load %arg1[%get3A, %get3A_0] : memref<2048x128xf32, #tpu.memory_space<vmem>>, vector<2048x128xf32>
    %get3A_2 = arith.constant 0 : index
    %get3A_3 = arith.constant 0 : index
    %get3A_4 = vector.load %arg2[%get3A_2, %get3A_3] : memref<128x128xf32, #tpu.memory_space<vmem>>, vector<128x128xf32>
    %dot_general3A = arith.constant dense<0.000000e+00> : vector<2048x128xf32>
    %dot_general3A_5 = tpu.matmul %get3A_1, %get3A_4, %dot_general3A {dimension_numbers = #tpu.dot_dimension_numbers<[1], [0], [0], [1], [0, 0, 1, 1], [], []>, precision = #tpu.contract_precision<fp32>, transpose_lhs_hint = false} : vector<2048x128xf32>, vector<128x128xf32>, vector<2048x128xf32> -> vector<2048x128xf32>
    %swap3A = arith.constant 0 : index
    %swap3A_6 = arith.constant 0 : index
    %swap3A_7 = vector.load %arg3[%swap3A, %swap3A_6] : memref<2048x128xf32, #tpu.memory_space<vmem>>, vector<2048x128xf32>
    tpu.vector_store %arg3[%swap3A, %swap3A_6], %dot_general3A_5 {strides = array<i32>} : memref<2048x128xf32, #tpu.memory_space<vmem>>, vector<2048x128xf32>,
    return
  }
  func.func @transform_0(%arg0: i32) -> (i32, i32) {
    %c0_i32 = arith.constant 0 : i32
    %c0_i32_0 = arith.constant 0 : i32
    return %arg0, %c0_i32 : i32, i32
  }
  func.func @transform_1(%arg0: i32) -> (i32, i32) {
    %c0_i32 = arith.constant 0 : i32
    %c0_i32_0 = arith.constant 0 : i32
    %c0_i32_1 = arith.constant 0 : i32
    return %c0_i32, %c0_i32_0 : i32, i32
  }
  func.func @transform_2(%arg0: i32) -> (i32, i32) {
    %c0_i32 = arith.constant 0 : i32
    %c0_i32_0 = arith.constant 0 : i32
    return %arg0, %c0_i32 : i32, i32
  }
}

module attributes {stable_mosaic.version = 14 : i64} {
  func.func @body(%arg0: i32, %arg1: memref<2048x128xf32, #tpu.memory_space<vmem>>, %arg2: memref<2048xf32, #tpu.memory_space<vmem>>, %arg3: memref<2048xf32, #tpu.memory_space<vmem>>, %arg4: memref<2048x128xf32, #tpu.memory_space<vmem>>, %arg5: memref<2048x1xf32, #tpu.memory_space<vmem>>) attributes {dimension_semantics = [#tpu.dimension_semantics<arbitrary>], iteration_bounds = array<i64: 5>, scalar_prefetch = 0 : i64, scratch_operands = 0 : i64, tpu.core_type = #tpu.core_type<tc>, window_params = [{transform_indices = @transform_0, window_bounds = array<i64: 2048, 128>}, {transform_indices = @transform_1, window_bounds = array<i64: 2048>}, {transform_indices = @transform_2, window_bounds = array<i64: 2048>}, {transform_indices = @transform_3, window_bounds = array<i64: 2048, 128>}, {transform_indices = @transform_4, window_bounds = array<i64: 2048, 1>}]} {
    %get3A = arith.constant 0 : index
    %get3A_0 = vector.load %arg2[%get3A] : memref<2048xf32, #tpu.memory_space<vmem>>, vector<2048xf32>
    %get3A_1 = arith.constant 0 : index
    %get3A_2 = vector.load %arg3[%get3A_1] : memref<2048xf32, #tpu.memory_space<vmem>>, vector<2048xf32>
    %add3A = arith.addf %get3A_0, %get3A_2 : vector<2048xf32>
    %add3A_3 = arith.constant 1.000000e+00 : f32
    %add3A_4 = vector.broadcast %add3A_3 : f32 to vector<2048xf32>
    %add3A_5 = arith.addf %add3A, %add3A_4 : vector<2048xf32>
    %rsqrt3A = math.rsqrt %add3A_5 : vector<2048xf32>
    %reshape3A = vector.shape_cast %rsqrt3A : vector<2048xf32> to vector<2048x1xf32>
    %get3A_6 = arith.constant 0 : index
    %get3A_7 = arith.constant 0 : index
    %get3A_8 = vector.load %arg1[%get3A_6, %get3A_7] : memref<2048x128xf32, #tpu.memory_space<vmem>>, vector<2048x128xf32>
    %mul3A = vector.broadcast %reshape3A : vector<2048x1xf32> to vector<2048x128xf32>
    %mul3A_9 = arith.mulf %get3A_8, %mul3A : vector<2048x128xf32>
    %swap3A = arith.constant 0 : index
    %swap3A_10 = arith.constant 0 : index
    %swap3A_11 = vector.load %arg4[%swap3A, %swap3A_10] : memref<2048x128xf32, #tpu.memory_space<vmem>>, vector<2048x128xf32>
    tpu.vector_store %arg4[%swap3A, %swap3A_10], %mul3A_9 {strides = array<i32>} : memref<2048x128xf32, #tpu.memory_space<vmem>>, vector<2048x128xf32>,
    %swap3A_12 = arith.constant 0 : index
    %swap3A_13 = arith.constant 0 : index
    %swap3A_14 = vector.load %arg5[%swap3A_12, %swap3A_13] : memref<2048x1xf32, #tpu.memory_space<vmem>>, vector<2048x1xf32>
    tpu.vector_store %arg5[%swap3A_12, %swap3A_13], %reshape3A {strides = array<i32>} : memref<2048x1xf32, #tpu.memory_space<vmem>>, vector<2048x1xf32>,
    return
  }
  func.func @transform_0(%arg0: i32) -> (i32, i32) {
    %c0_i32 = arith.constant 0 : i32
    %c0_i32_0 = arith.constant 0 : i32
    return %arg0, %c0_i32 : i32, i32
  }
  func.func @transform_1(%arg0: i32) -> i32 {
    %add3A = arith.constant 0 : i32
    %add3A_0 = arith.addi %add3A, %arg0 : i32
    %c0_i32 = arith.constant 0 : i32
    return %add3A_0 : i32
  }
  func.func @transform_2(%arg0: i32) -> i32 {
    %add3A = arith.constant 5 : i32
    %add3A_0 = arith.addi %add3A, %arg0 : i32
    %c0_i32 = arith.constant 0 : i32
    return %add3A_0 : i32
  }
  func.func @transform_3(%arg0: i32) -> (i32, i32) {
    %c0_i32 = arith.constant 0 : i32
    %c0_i32_0 = arith.constant 0 : i32
    return %arg0, %c0_i32 : i32, i32
  }
  func.func @transform_4(%arg0: i32) -> (i32, i32) {
    %c0_i32 = arith.constant 0 : i32
    %c0_i32_0 = arith.constant 0 : i32
    return %arg0, %c0_i32 : i32, i32
  }
}

module attributes {stable_mosaic.version = 14 : i64} {
  func.func @body(%arg0: i32, %arg1: memref<1x2048x128xf32, #tpu.memory_space<vmem>>, %arg2: memref<1x2048x128xf32, #tpu.memory_space<vmem>>, %arg3: memref<2048x128xf32, #tpu.memory_space<vmem>>, %arg4: memref<2048x1xf32, #tpu.memory_space<vmem>>, %arg5: memref<1x128xf32, #tpu.memory_space<vmem>>, %arg6: memref<128x64xf32, #tpu.memory_space<vmem>>, %arg7: memref<2048x64xf32, #tpu.memory_space<vmem>>) attributes {dimension_semantics = [#tpu.dimension_semantics<arbitrary>], iteration_bounds = array<i64: 5>, scalar_prefetch = 0 : i64, scratch_operands = 0 : i64, tpu.core_type = #tpu.core_type<tc>, window_params = [{transform_indices = @transform_0, window_bounds = array<i64: 1, 2048, 128>}, {transform_indices = @transform_1, window_bounds = array<i64: 1, 2048, 128>}, {transform_indices = @transform_2, window_bounds = array<i64: 2048, 128>}, {transform_indices = @transform_3, window_bounds = array<i64: 2048, 1>}, {pipeline_mode = #tpu.pipeline_mode<synchronous>, transform_indices = @transform_4, window_bounds = array<i64: 1, 128>}, {pipeline_mode = #tpu.pipeline_mode<synchronous>, transform_indices = @transform_5, window_bounds = array<i64: 128, 64>}, {transform_indices = @transform_6, window_bounds = array<i64: 2048, 64>}]} {
    %get3A = arith.constant 0 : index
    %get3A_0 = arith.constant 0 : index
    %get3A_1 = vector.load %arg4[%get3A, %get3A_0] : memref<2048x1xf32, #tpu.memory_space<vmem>>, vector<2048x1xf32>
    %get3A_2 = arith.constant 0 : index
    %get3A_3 = arith.constant 0 : index
    %get3A_4 = arith.constant 0 : index
    %get3A_5 = vector.load %arg1[%get3A_2, %get3A_3, %get3A_4] : memref<1x2048x128xf32, #tpu.memory_space<vmem>>, vector<1x2048x128xf32>
    %get3A_6 = vector.shape_cast %get3A_5 : vector<1x2048x128xf32> to vector<2048x128xf32>
    %get3A_7 = arith.constant 0 : index
    %get3A_8 = arith.constant 0 : index
    %get3A_9 = arith.constant 0 : index
    %get3A_10 = vector.load %arg2[%get3A_7, %get3A_8, %get3A_9] : memref<1x2048x128xf32, #tpu.memory_space<vmem>>, vector<1x2048x128xf32>
    %get3A_11 = vector.shape_cast %get3A_10 : vector<1x2048x128xf32> to vector<2048x128xf32>
    %add3A = arith.addf %get3A_6, %get3A_11 : vector<2048x128xf32>
    %get3A_12 = arith.constant 0 : index
    %get3A_13 = arith.constant 0 : index
    %get3A_14 = vector.load %arg3[%get3A_12, %get3A_13] : memref<2048x128xf32, #tpu.memory_space<vmem>>, vector<2048x128xf32>
    %add3A_15 = arith.addf %add3A, %get3A_14 : vector<2048x128xf32>
    %mul3A = vector.broadcast %get3A_1 : vector<2048x1xf32> to vector<2048x128xf32>
    %mul3A_16 = arith.mulf %add3A_15, %mul3A : vector<2048x128xf32>
    %get3A_17 = arith.constant 0 : index
    %get3A_18 = arith.constant 0 : index
    %get3A_19 = vector.load %arg5[%get3A_17, %get3A_18] : memref<1x128xf32, #tpu.memory_space<vmem>>, vector<1x128xf32>
    %add3A_20 = vector.broadcast %get3A_19 : vector<1x128xf32> to vector<2048x128xf32>
    %add3A_21 = arith.addf %mul3A_16, %add3A_20 : vector<2048x128xf32>
    %max3A = arith.constant 0.000000e+00 : f32
    %max3A_22 = vector.broadcast %max3A : f32 to vector<2048x128xf32>
    %max3A_23 = arith.maximumf %add3A_21, %max3A_22 : vector<2048x128xf32>
    %get3A_24 = arith.constant 0 : index
    %get3A_25 = arith.constant 0 : index
    %get3A_26 = vector.load %arg6[%get3A_24, %get3A_25] : memref<128x64xf32, #tpu.memory_space<vmem>>, vector<128x64xf32>
    %dot_general3A = arith.constant dense<0.000000e+00> : vector<2048x64xf32>
    %dot_general3A_27 = tpu.matmul %max3A_23, %get3A_26, %dot_general3A {dimension_numbers = #tpu.dot_dimension_numbers<[1], [0], [0], [1], [0, 0, 1, 1], [], []>, precision = #tpu.contract_precision<fp32>, transpose_lhs_hint = false} : vector<2048x128xf32>, vector<128x64xf32>, vector<2048x64xf32> -> vector<2048x64xf32>
    %mul3A_28 = vector.broadcast %get3A_1 : vector<2048x1xf32> to vector<2048x64xf32>
    %mul3A_29 = arith.mulf %dot_general3A_27, %mul3A_28 : vector<2048x64xf32>
    %swap3A = arith.constant 0 : index
    %swap3A_30 = arith.constant 0 : index
    %swap3A_31 = vector.load %arg7[%swap3A, %swap3A_30] : memref<2048x64xf32, #tpu.memory_space<vmem>>, vector<2048x64xf32>
    tpu.vector_store %arg7[%swap3A, %swap3A_30], %mul3A_29 {strides = array<i32>} : memref<2048x64xf32, #tpu.memory_space<vmem>>, vector<2048x64xf32>,
    return
  }
  func.func @transform_0(%arg0: i32) -> (i32, i32, i32) {
    %c0_i32 = arith.constant 0 : i32
    %c0_i32_0 = arith.constant 0 : i32
    %c0_i32_1 = arith.constant 0 : i32
    return %c0_i32, %arg0, %c0_i32_0 : i32, i32, i32
  }
  func.func @transform_1(%arg0: i32) -> (i32, i32, i32) {
    %c1_i32 = arith.constant 1 : i32
    %c0_i32 = arith.constant 0 : i32
    %c0_i32_0 = arith.constant 0 : i32
    return %c1_i32, %arg0, %c0_i32 : i32, i32, i32
  }
  func.func @transform_2(%arg0: i32) -> (i32, i32) {
    %c0_i32 = arith.constant 0 : i32
    %c0_i32_0 = arith.constant 0 : i32
    return %arg0, %c0_i32 : i32, i32
  }
  func.func @transform_3(%arg0: i32) -> (i32, i32) {
    %c0_i32 = arith.constant 0 : i32
    %c0_i32_0 = arith.constant 0 : i32
    return %arg0, %c0_i32 : i32, i32
  }
  func.func @transform_4(%arg0: i32) -> (i32, i32) {
    %c0_i32 = arith.constant 0 : i32
    %c0_i32_0 = arith.constant 0 : i32
    %c0_i32_1 = arith.constant 0 : i32
    return %c0_i32, %c0_i32_0 : i32, i32
  }
  func.func @transform_5(%arg0: i32) -> (i32, i32) {
    %c0_i32 = arith.constant 0 : i32
    %c0_i32_0 = arith.constant 0 : i32
    %c0_i32_1 = arith.constant 0 : i32
    return %c0_i32, %c0_i32_0 : i32, i32
  }
  func.func @transform_6(%arg0: i32) -> (i32, i32) {
    %c0_i32 = arith.constant 0 : i32
    %c0_i32_0 = arith.constant 0 : i32
    return %arg0, %c0_i32 : i32, i32
  }
}

module attributes {stable_mosaic.version = 14 : i64} {
  func.func @body(%arg0: i32, %arg1: memref<1x2000x128xf32, #tpu.memory_space<vmem>>, %arg2: memref<1x2000x128xf32, #tpu.memory_space<vmem>>, %arg3: memref<2000x64xf32, #tpu.memory_space<vmem>>, %arg4: memref<2000x1xf32, #tpu.memory_space<vmem>>, %arg5: memref<1x64xf32, #tpu.memory_space<vmem>>, %arg6: memref<2000x64xf32, #tpu.memory_space<vmem>>) attributes {dimension_semantics = [#tpu.dimension_semantics<arbitrary>], iteration_bounds = array<i64: 5>, scalar_prefetch = 0 : i64, scratch_operands = 0 : i64, tpu.core_type = #tpu.core_type<tc>, window_params = [{transform_indices = @transform_0, window_bounds = array<i64: 1, 2000, 128>}, {transform_indices = @transform_1, window_bounds = array<i64: 1, 2000, 128>}, {transform_indices = @transform_2, window_bounds = array<i64: 2000, 64>}, {transform_indices = @transform_3, window_bounds = array<i64: 2000, 1>}, {pipeline_mode = #tpu.pipeline_mode<synchronous>, transform_indices = @transform_4, window_bounds = array<i64: 1, 64>}, {transform_indices = @transform_5, window_bounds = array<i64: 2000, 64>}]} {
    %get3A = arith.constant 0 : index
    %get3A_0 = arith.constant 0 : index
    %get3A_1 = arith.constant 0 : index
    %get3A_2 = vector.load %arg1[%get3A, %get3A_0, %get3A_1] : memref<1x2000x128xf32, #tpu.memory_space<vmem>>, vector<1x2000x128xf32>
    %get3A_3 = vector.shape_cast %get3A_2 : vector<1x2000x128xf32> to vector<2000x128xf32>
    %get3A_4 = arith.constant 0 : index
    %get3A_5 = arith.constant 0 : index
    %get3A_6 = arith.constant 0 : index
    %get3A_7 = vector.load %arg2[%get3A_4, %get3A_5, %get3A_6] : memref<1x2000x128xf32, #tpu.memory_space<vmem>>, vector<1x2000x128xf32>
    %get3A_8 = vector.shape_cast %get3A_7 : vector<1x2000x128xf32> to vector<2000x128xf32>
    %add3A = arith.addf %get3A_3, %get3A_8 : vector<2000x128xf32>
    %slice3A = vector.extract_strided_slice %add3A {offsets = [0, 0], sizes = [2000, 64], strides = [1, 1]} : vector<2000x128xf32> to vector<2000x64xf32>
    %get3A_9 = arith.constant 0 : index
    %get3A_10 = arith.constant 0 : index
    %get3A_11 = vector.load %arg3[%get3A_9, %get3A_10] : memref<2000x64xf32, #tpu.memory_space<vmem>>, vector<2000x64xf32>
    %add3A_12 = arith.addf %slice3A, %get3A_11 : vector<2000x64xf32>
    %get3A_13 = arith.constant 0 : index
    %get3A_14 = arith.constant 0 : index
    %get3A_15 = vector.load %arg4[%get3A_13, %get3A_14] : memref<2000x1xf32, #tpu.memory_space<vmem>>, vector<2000x1xf32>
    %mul3A = vector.broadcast %get3A_15 : vector<2000x1xf32> to vector<2000x64xf32>
    %mul3A_16 = arith.mulf %add3A_12, %mul3A : vector<2000x64xf32>
    %get3A_17 = arith.constant 0 : index
    %get3A_18 = arith.constant 0 : index
    %get3A_19 = vector.load %arg5[%get3A_17, %get3A_18] : memref<1x64xf32, #tpu.memory_space<vmem>>, vector<1x64xf32>
    %add3A_20 = vector.broadcast %get3A_19 : vector<1x64xf32> to vector<2000x64xf32>
    %add3A_21 = arith.addf %mul3A_16, %add3A_20 : vector<2000x64xf32>
    %swap3A = arith.constant 0 : index
    %swap3A_22 = arith.constant 0 : index
    %swap3A_23 = vector.load %arg6[%swap3A, %swap3A_22] : memref<2000x64xf32, #tpu.memory_space<vmem>>, vector<2000x64xf32>
    tpu.vector_store %arg6[%swap3A, %swap3A_22], %add3A_21 {strides = array<i32>} : memref<2000x64xf32, #tpu.memory_space<vmem>>, vector<2000x64xf32>,
    return
  }
  func.func @transform_0(%arg0: i32) -> (i32, i32, i32) {
    %c0_i32 = arith.constant 0 : i32
    %c0_i32_0 = arith.constant 0 : i32
    %c0_i32_1 = arith.constant 0 : i32
    return %c0_i32, %arg0, %c0_i32_0 : i32, i32, i32
  }
  func.func @transform_1(%arg0: i32) -> (i32, i32, i32) {
    %c1_i32 = arith.constant 1 : i32
    %c0_i32 = arith.constant 0 : i32
    %c0_i32_0 = arith.constant 0 : i32
    return %c1_i32, %arg0, %c0_i32 : i32, i32, i32
  }
  func.func @transform_2(%arg0: i32) -> (i32, i32) {
    %c0_i32 = arith.constant 0 : i32
    %c0_i32_0 = arith.constant 0 : i32
    return %arg0, %c0_i32 : i32, i32
  }
  func.func @transform_3(%arg0: i32) -> (i32, i32) {
    %c0_i32 = arith.constant 0 : i32
    %c0_i32_0 = arith.constant 0 : i32
    return %arg0, %c0_i32 : i32, i32
  }
  func.func @transform_4(%arg0: i32) -> (i32, i32) {
    %c0_i32 = arith.constant 0 : i32
    %c0_i32_0 = arith.constant 0 : i32
    %c0_i32_1 = arith.constant 0 : i32
    return %c0_i32, %c0_i32_0 : i32, i32
  }
  func.func @transform_5(%arg0: i32) -> (i32, i32) {
    %c0_i32 = arith.constant 0 : i32
    %c0_i32_0 = arith.constant 0 : i32
    return %arg0, %c0_i32 : i32, i32
  }
}

</mosaic_0001>

<sc_bundles>
// kernel: kernel.10.cloned.1.call-start
scs
__scs_entry_jumppad:
0x0: {  	(pc) =	sbr.rel $0x88, $3  }
0x1: {  	(tag) =	ssettag $0x0;
	lr =	simm.s32 $0x1  }
0x2: {  	[smem:$0x3F9B] =	sst lr;
	_ =	strace $0xD0000000  }
0x3: {  	_ = 	snop  }
0x4: {  	_ = 	snop  }
0x5: {  	_ = 	snop  }
0x6: {  	_ = 	snop  }
0x7: {  	_ = 	snop  }
__scs_overlays_trampoline_lowered:
0x8: {  	[smem:$0x3FAA] =	sst s0  }
0x9: {  	[smem:$0x3FAB] =	sst s1  }
0xa: {  	[smem:$0x3FAC] =	sst s2  }
0xb: {  	[smem:$0x3FAD] =	sst s3  }
0xc: {  	[smem:$0x3FAE] =	sst s4  }
0xd: {  	[smem:$0x3FAF] =	sst s5  }
0xe: {  	[smem:$0x3FB0] =	sst s6  }
0xf: {  	[smem:$0x3FB1] =	sst s7  }
0x10: {  	[smem:$0x3FB2] =	sst s8  }
0x11: {  	[smem:$0x3FB3] =	sst s9;
	s0 =	simm.s32 @!p0 $0x0  }
0x12: {  	s1 =	sld [smem:$0x3F99];
	s0 =	simm.s32 @p0 $0x1  }
0x13: {  	[smem:$0x3FB4] =	sst s0;
	s0 =	simm.s32 @!p1 $0x0  }
0x14: {  	s2 =	sld [smem:$0x3F98];
	s0 =	simm.s32 @p1 $0x1  }
0x15: {  	[smem:$0x3FB5] =	sst s0;
	s0 =	simm.s32 @!p2 $0x0  }
0x16: {  	s3 =	sld [smem:$0x3FDB];
	s0 =	simm.s32 @p2 $0x1  }
0x17: {  	s4 =	simm.s32 $0x1BF5;
	[smem:$0x3FB7] =	sst s0  }
0x18: {  	s0 =	sld [smem:$0x3F9A];
	_ =	swait.ge [sflag:s4], $0x0  }
0x19: {  	s7 =	sld [smem:$0x3F9B]  }
0x1a: {  	s8 =	sadd.s32 $0xFFFFE003, lr  }
0x1b: {  	s9 =	sadd.s32 $0xFFFFFEF7, lr;
	s5 =	simm.s32 $0xFFFFFFFF;
	p2 =	slt.u32 s8, $0xFFFFF086  }
0x1c: {  	p1 =	slt.u32 s9, $0xF7A;
	s5 =	simm.s32 @!p2 $0x0  }
0x1d: {  	s5 =	simm.s32 @p1 $0x1;
	p0 =	seq.s32 s7, s2  }
0x1e: {  	s7 =	smul.u32 @!p0 $0xF7A, s2;
	p2 =	seq.s32 @!p0 s5, $0x0  }
0x1f: {  	s9 =	smul.u32 $0xF7A, s1;
	s8 =	simm.s32 @!p0 $0x1BF5;
	p2 =	por !p2, p0  }
0x20: {  	[sflag:s8] =	ssyncset.s32 @!p0 $0xFFFFF086;
	s6 =	sadd.s32 @!p0 s3, s7;
	s7 =	simm.s32 @!p0 $0x108  }
0x21: {  	s3 =	sadd.s32 s3, s9;
	s6 =	sadd.s32 @!p0 $0x88, s6;
	s7 =	simm.s32 @p2 $0x1082  }
0x22: {  	[simem:s7], [sflag:s8] =	dma.local @!p0 [hbm:s6], $0xF7A  }
0x23: {  	s9 =	sor.u32 $0xD0000000, s2;
	s6 =	simm.s32 $0x108;
	_ =	swait.ge @!p0 [sflag:s8], $0x0  }
0x24: {  	s3 =	sadd.s32 $0x88, s3;
	s6 =	simm.s32 @!p1 $0x1082;
	[sflag:s4] =	ssyncset.s32 $0xFFFFF086  }
0x25: {  	[simem:s6], [sflag:s4] =	dma.local [hbm:s3], $0xF7A  }
0x26: {  	[smem:$0x3F9B] =	sst s1;
	(tag) =	ssettag s2;
	_ =	strace s9  }
0x27: {  	s1 =	sld [smem:$0x3FAB]  }
0x28: {  	s2 =	sld [smem:$0x3FAC]  }
0x29: {  	s4 =	sld [smem:$0x3FAE]  }
0x2a: {  	p0 =	seq.s32 s5, $0x0;
	s5 =	sld [smem:$0x3FAF]  }
0x2b: {  	s6 =	sld [smem:$0x3FB0]  }
0x2c: {  	s7 =	sld [smem:$0x3FB1]  }
0x2d: {  	s3 =	simm.s32 $0x108;
	s8 =	sld [smem:$0x3FB2]  }
0x2e: {  	s3 =	simm.s32 @!p0 $0x1082;
	s9 =	sld [smem:$0x3FB3]  }
0x2f: {  	lr =	sadd.s32 s0, s3;
	s0 =	sld [smem:$0x3FAA]  }
0x30: {  	s3 =	sld [smem:$0x3FAD]  }
0x31: {  	[smem:$0x3FB6] =	sst s10  }
0x32: {  	s10 =	sld [smem:$0x3FB4];
	_ =	sdelay $0x3  }
0x33: {  	p0 =	seq.s32 s10, $0x1;
	s10 =	sld [smem:$0x3FB6];
	_ =	sdelay $0x3  }
0x34: {  	[smem:$0x3FB6] =	sst s10  }
0x35: {  	s10 =	sld [smem:$0x3FB5];
	_ =	sdelay $0x3  }
0x36: {  	p1 =	seq.s32 s10, $0x1;
	s10 =	sld [smem:$0x3FB6];
	_ =	sdelay $0x3  }
0x37: {  	[smem:$0x3FB6] =	sst s10  }
0x38: {  	s10 =	sld [smem:$0x3FB7]  }
0x39: {  	_ = 	snop;
	(pc) =	sbr.ind lr, $3  }
0x3a: {  	_ = 	snop  }
0x3b: {  	_ = 	snop  }
0x3c: {  	p2 =	seq.s32 s10, $0x1;
	s10 =	sld [smem:$0x3FB6]  }
0x3d: {  	_ =	shalt  }
0x3e: {  	_ =	shalt  }
0x3f: {  	_ =	shalt  }
0x40: {  	_ =	shalt  }
0x41: {  	_ =	shalt  }
0x42: {  	_ =	shalt  }
0x43: {  	_ =	shalt  }
0x44: {  	_ =	shalt  }
0x45: {  	_ =	shalt  }
0x46: {  	_ =	shalt  }
0x47: {  	_ =	shalt  }
0x48: {  	_ =	shalt  }
0x49: {  	_ =	shalt  }
0x4a: {  	_ =	shalt  }
0x4b: {  	_ =	shalt  }
0x4c: {  	_ =	shalt  }
0x4d: {  	_ =	shalt  }
0x4e: {  	_ =	shalt  }
0x4f: {  	_ =	shalt  }
0x50: {  	_ =	shalt  }
0x51: {  	_ =	shalt  }
0x52: {  	_ =	shalt  }
0x53: {  	_ =	shalt  }
0x54: {  	_ =	shalt  }
0x55: {  	_ =	shalt  }
0x56: {  	_ =	shalt  }
0x57: {  	_ =	shalt  }
0x58: {  	_ =	shalt  }
0x59: {  	_ =	shalt  }
0x5a: {  	_ =	shalt  }
0x5b: {  	_ =	shalt  }
0x5c: {  	_ =	shalt  }
0x5d: {  	_ =	shalt  }
0x5e: {  	_ =	shalt  }
0x5f: {  	_ =	shalt  }
0x60: {  	_ =	shalt  }
0x61: {  	_ =	shalt  }
0x62: {  	_ =	shalt  }
0x63: {  	_ =	shalt  }
0x64: {  	_ =	shalt  }
0x65: {  	_ =	shalt  }
0x66: {  	_ =	shalt  }
0x67: {  	_ =	shalt  }
0x68: {  	_ =	shalt  }
0x69: {  	_ =	shalt  }
0x6a: {  	_ =	shalt  }
0x6b: {  	_ =	shalt  }
0x6c: {  	_ =	shalt  }
0x6d: {  	_ =	shalt  }
0x6e: {  	_ =	shalt  }
0x6f: {  	_ =	shalt  }
0x70: {  	_ =	shalt  }
0x71: {  	_ =	shalt  }
0x72: {  	_ =	shalt  }
0x73: {  	_ =	shalt  }
0x74: {  	_ =	shalt  }
0x75: {  	_ =	shalt  }
0x76: {  	_ =	shalt  }
0x77: {  	_ =	shalt  }
0x78: {  	_ =	shalt  }
0x79: {  	_ =	shalt  }
0x7a: {  	_ =	shalt  }
0x7b: {  	_ =	shalt  }
0x7c: {  	_ =	shalt  }
0x7d: {  	_ =	shalt  }
0x7e: {  	_ =	shalt  }
0x7f: {  	_ =	shalt  }
0x80: {  	_ =	shalt  }
0x81: {  	_ =	shalt  }
0x82: {  	_ =	shalt  }
0x83: {  	_ =	shalt  }
0x84: {  	_ =	shalt  }
0x85: {  	_ =	shalt  }
0x86: {  	_ =	shalt  }
0x87: {  	_ =	shalt  }
.Lfunc_end0:
.L_simem_size_0:
called_computation_lowered:
.L_overlay_start_0:
0x88: {  	s2 =	sld [smem:$0x3FD9]  }
0x89: {  	s3 =	sld [smem:$0x3FFE];
	_ =	sdelay $0x1  }
0x8a: {  	s1 =	srdreg.scid  }
0x8b: {  	s0 =	sand.u32 $0x1, s1  }
0x8c: {  	s17 =	sshll.u32 s0, $0xA;
	s2 =	sadd.s32 s3, s2  }
0x8d: {  	s2 =	sadd.s32 s2, s17  }
0x8e: {  	[smem:$0x3FC2] =	sst s2  }
0x8f: {  	_ = 	snop  }
0x90: {  	s2 =	sld [smem:$0x3FD0];
	(tm) =	ssettm $0x1  }
0x91: {  	s18 =	sld [smem:$0x3FFB];
	_ =	sdelay $0x3  }
0x92: {  	_ =	strace s18  }
0x93: {  	s3 =	sld [smem:$0x3FFC];
	_ =	sdelay $0x3  }
0x94: {  	_ =	strace s3  }
0x95: {  	s3 =	sld [smem:$0x3FFD];
	_ =	sdelay $0x3  }
0x96: {  	_ =	strace s3  }
0x97: {  	_ =	strace $0x8FFFFFFF  }
0x98: {  	s19 =	sld [smem:$0x3FDB];
	_ =	sdelay $0x1  }
0x99: {  	s4 =	simm.s32 $_scs_section_size  }
0x9a: {  	s5 =	simm.s32 $_size__tile_overlayer_lowered;
	s6 =	simm.s32 $_tile_overlayer_lowered  }
0x9b: {  	s22 =	simm.s32 $0x1BFF;
	s21 =	sshll.u32 s6, $0x1;
	s3 =	sadd.s32 s4, s19  }
0x9c: {  	s7 =	simm.s32 $0x0;
	s20 =	sshll.u32 s5, $0x1;
	s5 =	sadd.s32 s21, s3  }
0x9d: {  	[timem:s7], [sflag:s22] =	dma.local [hbm:s5], s20  }
0x9e: {  	_ =	swait.ge [sflag:s22], s20  }
0x9f: {  	s4 =	ssub.s32 $0x0, s20;
	[sflag:s22] =	ssyncset.done $0x0  }
0xa0: {  	[sflag:s22] =	ssyncadd.s32 s4;
	_ =	sdelay $0x1  }
0xa1: {  	s23 =	simm.s32 $0x1B8B  }
0xa2: {  	_ =	swait.ge [sflag:s23], $0x1  }
0xa3: {  	[sflag:s23] =	ssyncset.done $0x0  }
0xa4: {  	s25 =	simm.s32 $0x1B8E;
	s24 =	sld [smem:$0x3FFE];
	[sflag:s23] =	ssyncadd.s32 $0xFFFFFFFF  }
0xa5: {  	s26 =	simm.s32 $execute0_lowered;
	[smem:$0x3FD2] =	sst s25  }
0xa6: {  	s5 =	sshll.u32 s26, $0x1;
	_ =	strace $0x80000046;
	[dreg:$0x1] =	wrdreg $0xFFFFFFFF  }
0xa7: {  	s28 =	simm.s32 $_size_execute0_lowered;
	s3 =	sadd.s32 s3, s5;
	[dreg:$0x0] =	wrdreg $0x0  }
0xa8: {  	s5 =	sshll.u32 s28, $0x1;
	[dreg:$0x2] =	wrdreg s3  }
0xa9: {  	[dreg:$0x3] =	wrdreg s5  }
0xaa: {  	[dreg:$0x4] =	wrdreg $0xC0  }
0xab: {  	_ =	task [dreg:s7], $0x5FFFF  }
0xac: {  	[dreg:$0x1] =	wrdreg $0xFFFFFFFF  }
0xad: {  	[dreg:$0x0] =	wrdreg $0x60  }
0xae: {  	[dreg:$0x2] =	wrdreg s2  }
0xaf: {  	[dreg:$0x3] =	wrdreg s24  }
0xb0: {  	[dreg:$0x4] =	wrdreg $0x28800  }
0xb1: {  	[dreg:$0x5] =	wrdreg $0x9  }
0xb2: {  	_ =	task.clear_ibuf [dreg:s7], $0x6FFFF;
	_ =	strace $0x90000046  }
0xb3: {  	s29 =	simm.s32 $0x9;
	_ =	strace $0x80000048  }
0xb4: {  	_ =	swait.ge [sflag:s29], $0x1  }
0xb5: {  	[sflag:s29] =	ssyncadd.s32 $0xFFFFFFFF  }
0xb6: {  	_ =	strace $0x90000048  }
0xb7: {  	_ =	sfence  }
0xb8: {  	s30 =	sld [smem:$0x0];
	_ =	sdelay $0x2  }
0xb9: {  	s31 =	sshll.u32 s1, $0xD;
	s1 =	sshrl.u32 s1, $0x2  }
0xba: {  	s3 =	sand.u32 $0x4000, s31;
	s1 =	sadd.s32 s1, s30  }
0xbb: {  	s0 =	sor.u32 s3, s0;
	s1 =	sshll.u32 s1, $0x11  }
0xbc: {  	s0 =	sor.u32 s1, s0  }
0xbd: {  	s0 =	sadd.s32 $0x8F2B, s0  }
0xbe: {  	[sflag:s0] =	ssyncadd.remote.s32 $0x1  }
0xbf: {  	_ =	sfence.sel $0xFFFF  }
0xc0: {  	[dreg:$0x0] =	wrdreg $0xFFFFFFFF;
	(pc) =	sbr.abs _section_cstart, $3  }
0xc1: {  	[dreg:$0x1] =	wrdreg $0xFFFFFFFF  }
0xc2: {  	_ =	task.clear_ibuf [dreg:s7], $0x2FFFF;
	_ =	strace $0x9FFFFFFF  }
0xc3: {  	(tm) =	ssettm $0x7FFFFFFF  }
tec
execute0_lowered:
.L_overlay_start_1:
0x0: {  	(tag) =	ssettag $0x1  }
0x1: {  	s7 =	rddreg [dreg:$0x0]  }
0x2: {  	s5 =	rddreg [dreg:$0x1]  }
0x3: {  	s2 =	rddreg [dreg:$0x2]  }
0x4: {  	s0 =	rddreg [dreg:$0x3]  }
0x5: {  	s1 =	stileid.u32;
	s4 =	srdreg.scid;
	s3 =	simm.s32 $0x0  }
0x6: {  	s14 =	simm.s32 $0x1;
	s15 =	simm.s32 $0x0;
	s6 =	smul.u32 $0x280, s1  }
0x7: {  	s8 =	sand.u32 $0x1, s4;
	[smem:$0x7FF] =	sst s3;
	s4 =	sadd.s32 $0xCA00, s5  }
0x8: {  	s12 =	sshll.u32 s1, $0x1;
	s31 =	sshll.u32 s1, $0x6;
	s9 =	smul.u32 $0x2800, s8  }
0x9: {  	_ =	strace $0x80000047;
	s11 =	ssub.s32 $0x2, s8;
	s8 =	sor.u32 s8, s12  }
0xa: {  	s12 =	simm.s32 $0x2800;
	s10 =	sshrl.u32 s6, $0x3;
	s30 =	sshrl.u32 s11, $0x1  }
0xb: {  	s8 =	smul.u32 $0x500, s8;
	s13 =	sadd.s32 s6, s2;
	s9 =	sadd.s32 s6, s9  }
0xc: {  	s10 =	sadd.s32 s10, s5;
	s11 =	ssub.s32 s11, s30;
	s9 =	sshrl.u32 s9, $0x3  }
0xd: {  	s6 =	sor.u32 $0x1C02, s31;
	s7 =	sadd.s32 s7, s8;
	s9 =	sadd.s32 s9, s5  }
0xe: {  	s5 =	sadd.s32 $0xCC00, s10;
	s10 =	sshrl.u32 s13, $0x3;
	s13 =	simm.s32 $0x80  }
0xf: {  	s8 =	sadd.s32 $0xD200, s9;
	s9 =	smax.u32 s11, $0x1;
	s11 =	simm.s32 $0x2  }
.LBB2_1:
0x10: {  	[spmem:s10], [sflag:s6] =	dma.local [hbm:s5], $0x50  }
0x11: {  	_ =	swait.ge [sflag:s11], $0x50  }
0x12: {  	[sflag:s11] =	ssyncset.done $0x0  }
0x13: {  	[sflag:s11] =	ssyncadd.s32 $0xFFFFFFB0  }
0x14: {  	[tilespmem:s12], [sflag:$0x2] =	stream.linear.gather [hbm4b:s4+s3], $0x80, $0x38;
	[tilespmem:$0x2B00] =	vst v63  }
0x15: {  	_ =	swait.ge [sflag:s11], $0x80  }
0x16: {  	[sflag:s11] =	ssyncset.done $0x0  }
0x17: {  	[sflag:s11] =	ssyncadd.s32 $0xFFFFFF80  }
0x18: {  	[tilespmem:s3], [sflag:$0x2] =	stream.linear.gather [hbm4b:s7+s3], $0x2800, $0x38;
	[tilespmem:$0x2B00] =	vst v63  }
0x19: {  	_ =	swait.ge [sflag:s11], $0x2800  }
0x1a: {  	[sflag:s11] =	ssyncset.done $0x0  }
0x1b: {  	[sflag:s11] =	ssyncadd.s32 $0xFFFFD800  }
0x1c: {  	s16 =	simm.s32 $0x0;
	[bflag:$0x0] =	sbarrier.arrive $0xFFFF  }
0x1d: {  	[spmem:s2] =	stream.indirect.scatter.add.f32 [tilespmem:s12], [sflag:$0x1], $0x1, s16, s13, $0xb8;
	[tilespmem:$0x2B00] =	vst v63  }
0x1e: {  	s31 =	simm.s32 $0x80  }
0x1f: {  	[spmem:s2] =	stream.indirect.scatter.add.f32 [tilespmem:s12], [sflag:$0x1], $0x1, s31, s13, $0xb8;
	[tilespmem:$0x2B00] =	vst v63  }
0x20: {  	s17 =	simm.s32 $0x100  }
0x21: {  	[spmem:s2] =	stream.indirect.scatter.add.f32 [tilespmem:s12], [sflag:$0x1], $0x1, s17, s13, $0xb8;
	[tilespmem:$0x2B00] =	vst v63  }
0x22: {  	s18 =	simm.s32 $0x180  }
0x23: {  	[spmem:s2] =	stream.indirect.scatter.add.f32 [tilespmem:s12], [sflag:$0x1], $0x1, s18, s13, $0xb8;
	[tilespmem:$0x2B00] =	vst v63  }
0x24: {  	s19 =	simm.s32 $0x200  }
0x25: {  	[spmem:s2] =	stream.indirect.scatter.add.f32 [tilespmem:s12], [sflag:$0x1], $0x1, s19, s13, $0xb8;
	[tilespmem:$0x2B00] =	vst v63  }
0x26: {  	s20 =	simm.s32 $0x280  }
0x27: {  	[spmem:s2] =	stream.indirect.scatter.add.f32 [tilespmem:s12], [sflag:$0x1], $0x1, s20, s13, $0xb8;
	[tilespmem:$0x2B00] =	vst v63  }
0x28: {  	s21 =	simm.s32 $0x300  }
0x29: {  	[spmem:s2] =	stream.indirect.scatter.add.f32 [tilespmem:s12], [sflag:$0x1], $0x1, s21, s13, $0xb8;
	[tilespmem:$0x2B00] =	vst v63  }
0x2a: {  	s22 =	simm.s32 $0x380  }
0x2b: {  	[spmem:s2] =	stream.indirect.scatter.add.f32 [tilespmem:s12], [sflag:$0x1], $0x1, s22, s13, $0xb8;
	[tilespmem:$0x2B00] =	vst v63  }
0x2c: {  	s23 =	simm.s32 $0x400  }
0x2d: {  	[spmem:s2] =	stream.indirect.scatter.add.f32 [tilespmem:s12], [sflag:$0x1], $0x1, s23, s13, $0xb8;
	[tilespmem:$0x2B00] =	vst v63  }
0x2e: {  	s24 =	simm.s32 $0x480  }
0x2f: {  	[spmem:s2] =	stream.indirect.scatter.add.f32 [tilespmem:s12], [sflag:$0x1], $0x1, s24, s13, $0xb8;
	[tilespmem:$0x2B00] =	vst v63  }
0x30: {  	s25 =	simm.s32 $0x500  }
0x31: {  	[spmem:s2] =	stream.indirect.scatter.add.f32 [tilespmem:s12], [sflag:$0x1], $0x1, s25, s13, $0xb8;
	[tilespmem:$0x2B00] =	vst v63  }
0x32: {  	s26 =	simm.s32 $0x580  }
0x33: {  	[spmem:s2] =	stream.indirect.scatter.add.f32 [tilespmem:s12], [sflag:$0x1], $0x1, s26, s13, $0xb8;
	[tilespmem:$0x2B00] =	vst v63  }
0x34: {  	s28 =	simm.s32 $0x600  }
0x35: {  	[spmem:s2] =	stream.indirect.scatter.add.f32 [tilespmem:s12], [sflag:$0x1], $0x1, s28, s13, $0xb8;
	[tilespmem:$0x2B00] =	vst v63  }
0x36: {  	s29 =	simm.s32 $0x680  }
0x37: {  	[spmem:s2] =	stream.indirect.scatter.add.f32 [tilespmem:s12], [sflag:$0x1], $0x1, s29, s13, $0xb8;
	[tilespmem:$0x2B00] =	vst v63  }
0x38: {  	s30 =	simm.s32 $0x700  }
0x39: {  	[spmem:s2] =	stream.indirect.scatter.add.f32 [tilespmem:s12], [sflag:$0x1], $0x1, s30, s13, $0xb8;
	[tilespmem:$0x2B00] =	vst v63  }
0x3a: {  	s31 =	simm.s32 $0x780  }
0x3b: {  	[spmem:s2] =	stream.indirect.scatter.add.f32 [tilespmem:s12], [sflag:$0x1], $0x1, s31, s13, $0xb8;
	[tilespmem:$0x2B00] =	vst v63  }
0x3c: {  	_ =	swait.ge [sflag:s14], $0x80  }
0x3d: {  	[sflag:s14] =	ssyncset.done $0x0  }
0x3e: {  	[sflag:s14] =	ssyncadd.s32 $0xFFFFFF80  }
0x3f: {  	_ =	swait.ge [sflag:s14], $0x80  }
0x40: {  	[sflag:s14] =	ssyncset.done $0x0  }
0x41: {  	[sflag:s14] =	ssyncadd.s32 $0xFFFFFF80  }
0x42: {  	_ =	swait.ge [sflag:s14], $0x80  }
0x43: {  	[sflag:s14] =	ssyncset.done $0x0  }
0x44: {  	[sflag:s14] =	ssyncadd.s32 $0xFFFFFF80  }
0x45: {  	_ =	swait.ge [sflag:s14], $0x80  }
0x46: {  	[sflag:s14] =	ssyncset.done $0x0  }
0x47: {  	[sflag:s14] =	ssyncadd.s32 $0xFFFFFF80  }
0x48: {  	_ =	swait.ge [sflag:s14], $0x80  }
0x49: {  	[sflag:s14] =	ssyncset.done $0x0  }
0x4a: {  	[sflag:s14] =	ssyncadd.s32 $0xFFFFFF80  }
0x4b: {  	_ =	swait.ge [sflag:s14], $0x80  }
0x4c: {  	[sflag:s14] =	ssyncset.done $0x0  }
0x4d: {  	[sflag:s14] =	ssyncadd.s32 $0xFFFFFF80  }
0x4e: {  	_ =	swait.ge [sflag:s14], $0x80  }
0x4f: {  	[sflag:s14] =	ssyncset.done $0x0  }
0x50: {  	[sflag:s14] =	ssyncadd.s32 $0xFFFFFF80  }
0x51: {  	_ =	swait.ge [sflag:s14], $0x80  }
0x52: {  	[sflag:s14] =	ssyncset.done $0x0  }
0x53: {  	[sflag:s14] =	ssyncadd.s32 $0xFFFFFF80  }
0x54: {  	_ =	swait.ge [sflag:s14], $0x80  }
0x55: {  	[sflag:s14] =	ssyncset.done $0x0  }
0x56: {  	[sflag:s14] =	ssyncadd.s32 $0xFFFFFF80  }
0x57: {  	_ =	swait.ge [sflag:s14], $0x80  }
0x58: {  	[sflag:s14] =	ssyncset.done $0x0  }
0x59: {  	[sflag:s14] =	ssyncadd.s32 $0xFFFFFF80  }
0x5a: {  	_ =	swait.ge [sflag:s14], $0x80  }
0x5b: {  	[sflag:s14] =	ssyncset.done $0x0  }
0x5c: {  	[sflag:s14] =	ssyncadd.s32 $0xFFFFFF80  }
0x5d: {  	_ =	swait.ge [sflag:s14], $0x80  }
0x5e: {  	[sflag:s14] =	ssyncset.done $0x0  }
0x5f: {  	[sflag:s14] =	ssyncadd.s32 $0xFFFFFF80  }
0x60: {  	_ =	swait.ge [sflag:s14], $0x80  }
0x61: {  	[sflag:s14] =	ssyncset.done $0x0  }
0x62: {  	[sflag:s14] =	ssyncadd.s32 $0xFFFFFF80  }
0x63: {  	_ =	swait.ge [sflag:s14], $0x80  }
0x64: {  	[sflag:s14] =	ssyncset.done $0x0  }
0x65: {  	[sflag:s14] =	ssyncadd.s32 $0xFFFFFF80  }
0x66: {  	_ =	swait.ge [sflag:s14], $0x80  }
0x67: {  	[sflag:s14] =	ssyncset.done $0x0  }
0x68: {  	[sflag:s14] =	ssyncadd.s32 $0xFFFFFF80  }
0x69: {  	_ =	swait.ge [sflag:s14], $0x80  }
0x6a: {  	s16 =	simm.s32 $0x2000;
	s19 =	simm.s32 $0x4000;
	[sflag:s14] =	ssyncset.done $0x0  }
.LBB2_2:
0x6b: {  	s18 =	sshra.s32 s16, $0x2  }
0x6c: {  	[sflag:s14] =	ssyncadd.s32 $0xFFFFFF80;
	s16 =	smov.u32 s19;
	s17 =	sadd.s32 $0x2000, s19  }
0x6d: {  	[spmem:s2] =	stream.indirect.scatter.add.f32 [tilespmem:s12], [sflag:$0x1], $0x1, s18, s13, $0xb8;
	[tilespmem:$0x2B00] =	vst v63  }
0x6e: {  	p0 =	sne.s32 s19, $0x8000;
	s19 =	sadd.s32 $0x80, s18  }
0x6f: {  	[spmem:s2] =	stream.indirect.scatter.add.f32 [tilespmem:s12], [sflag:$0x1], $0x1, s19, s13, $0xb8;
	[tilespmem:$0x2B00] =	vst v63  }
0x70: {  	s19 =	sadd.s32 $0x100, s18  }
0x71: {  	[spmem:s2] =	stream.indirect.scatter.add.f32 [tilespmem:s12], [sflag:$0x1], $0x1, s19, s13, $0xb8;
	[tilespmem:$0x2B00] =	vst v63  }
0x72: {  	s19 =	sadd.s32 $0x180, s18  }
0x73: {  	[spmem:s2] =	stream.indirect.scatter.add.f32 [tilespmem:s12], [sflag:$0x1], $0x1, s19, s13, $0xb8;
	[tilespmem:$0x2B00] =	vst v63  }
0x74: {  	s19 =	sadd.s32 $0x200, s18  }
0x75: {  	[spmem:s2] =	stream.indirect.scatter.add.f32 [tilespmem:s12], [sflag:$0x1], $0x1, s19, s13, $0xb8;
	[tilespmem:$0x2B00] =	vst v63  }
0x76: {  	s19 =	sadd.s32 $0x280, s18  }
0x77: {  	[spmem:s2] =	stream.indirect.scatter.add.f32 [tilespmem:s12], [sflag:$0x1], $0x1, s19, s13, $0xb8;
	[tilespmem:$0x2B00] =	vst v63  }
0x78: {  	s19 =	sadd.s32 $0x300, s18  }
0x79: {  	[spmem:s2] =	stream.indirect.scatter.add.f32 [tilespmem:s12], [sflag:$0x1], $0x1, s19, s13, $0xb8;
	[tilespmem:$0x2B00] =	vst v63  }
0x7a: {  	s19 =	sadd.s32 $0x380, s18  }
0x7b: {  	[spmem:s2] =	stream.indirect.scatter.add.f32 [tilespmem:s12], [sflag:$0x1], $0x1, s19, s13, $0xb8;
	[tilespmem:$0x2B00] =	vst v63  }
0x7c: {  	s19 =	sadd.s32 $0x400, s18  }
0x7d: {  	[spmem:s2] =	stream.indirect.scatter.add.f32 [tilespmem:s12], [sflag:$0x1], $0x1, s19, s13, $0xb8;
	[tilespmem:$0x2B00] =	vst v63  }
0x7e: {  	s19 =	sadd.s32 $0x480, s18  }
0x7f: {  	[spmem:s2] =	stream.indirect.scatter.add.f32 [tilespmem:s12], [sflag:$0x1], $0x1, s19, s13, $0xb8;
	[tilespmem:$0x2B00] =	vst v63  }
0x80: {  	s19 =	sadd.s32 $0x500, s18  }
0x81: {  	[spmem:s2] =	stream.indirect.scatter.add.f32 [tilespmem:s12], [sflag:$0x1], $0x1, s19, s13, $0xb8;
	[tilespmem:$0x2B00] =	vst v63  }
0x82: {  	s19 =	sadd.s32 $0x580, s18  }
0x83: {  	[spmem:s2] =	stream.indirect.scatter.add.f32 [tilespmem:s12], [sflag:$0x1], $0x1, s19, s13, $0xb8;
	[tilespmem:$0x2B00] =	vst v63  }
0x84: {  	s19 =	sadd.s32 $0x600, s18  }
0x85: {  	[spmem:s2] =	stream.indirect.scatter.add.f32 [tilespmem:s12], [sflag:$0x1], $0x1, s19, s13, $0xb8;
	[tilespmem:$0x2B00] =	vst v63  }
0x86: {  	s19 =	sadd.s32 $0x680, s18  }
0x87: {  	[spmem:s2] =	stream.indirect.scatter.add.f32 [tilespmem:s12], [sflag:$0x1], $0x1, s19, s13, $0xb8;
	[tilespmem:$0x2B00] =	vst v63  }
0x88: {  	s19 =	sadd.s32 $0x700, s18  }
0x89: {  	[spmem:s2] =	stream.indirect.scatter.add.f32 [tilespmem:s12], [sflag:$0x1], $0x1, s19, s13, $0xb8;
	[tilespmem:$0x2B00] =	vst v63  }
0x8a: {  	s18 =	sadd.s32 $0x780, s18  }
0x8b: {  	[spmem:s2] =	stream.indirect.scatter.add.f32 [tilespmem:s12], [sflag:$0x1], $0x1, s18, s13, $0xb8;
	[tilespmem:$0x2B00] =	vst v63  }
0x8c: {  	_ =	swait.ge [sflag:s14], $0x80  }
0x8d: {  	[sflag:s14] =	ssyncset.done $0x0  }
0x8e: {  	[sflag:s14] =	ssyncadd.s32 $0xFFFFFF80  }
0x8f: {  	_ =	swait.ge [sflag:s14], $0x80  }
0x90: {  	[sflag:s14] =	ssyncset.done $0x0  }
0x91: {  	[sflag:s14] =	ssyncadd.s32 $0xFFFFFF80  }
0x92: {  	_ =	swait.ge [sflag:s14], $0x80  }
0x93: {  	[sflag:s14] =	ssyncset.done $0x0  }
0x94: {  	[sflag:s14] =	ssyncadd.s32 $0xFFFFFF80  }
0x95: {  	_ =	swait.ge [sflag:s14], $0x80  }
0x96: {  	[sflag:s14] =	ssyncset.done $0x0  }
0x97: {  	[sflag:s14] =	ssyncadd.s32 $0xFFFFFF80  }
0x98: {  	_ =	swait.ge [sflag:s14], $0x80  }
0x99: {  	[sflag:s14] =	ssyncset.done $0x0  }
0x9a: {  	[sflag:s14] =	ssyncadd.s32 $0xFFFFFF80  }
0x9b: {  	_ =	swait.ge [sflag:s14], $0x80  }
0x9c: {  	[sflag:s14] =	ssyncset.done $0x0  }
0x9d: {  	[sflag:s14] =	ssyncadd.s32 $0xFFFFFF80  }
0x9e: {  	_ =	swait.ge [sflag:s14], $0x80  }
0x9f: {  	[sflag:s14] =	ssyncset.done $0x0  }
0xa0: {  	[sflag:s14] =	ssyncadd.s32 $0xFFFFFF80  }
0xa1: {  	_ =	swait.ge [sflag:s14], $0x80  }
0xa2: {  	[sflag:s14] =	ssyncset.done $0x0  }
0xa3: {  	[sflag:s14] =	ssyncadd.s32 $0xFFFFFF80  }
0xa4: {  	_ =	swait.ge [sflag:s14], $0x80  }
0xa5: {  	[sflag:s14] =	ssyncset.done $0x0  }
0xa6: {  	[sflag:s14] =	ssyncadd.s32 $0xFFFFFF80  }
0xa7: {  	_ =	swait.ge [sflag:s14], $0x80  }
0xa8: {  	[sflag:s14] =	ssyncset.done $0x0  }
0xa9: {  	[sflag:s14] =	ssyncadd.s32 $0xFFFFFF80  }
0xaa: {  	_ =	swait.ge [sflag:s14], $0x80  }
0xab: {  	[sflag:s14] =	ssyncset.done $0x0  }
0xac: {  	[sflag:s14] =	ssyncadd.s32 $0xFFFFFF80  }
0xad: {  	_ =	swait.ge [sflag:s14], $0x80  }
0xae: {  	[sflag:s14] =	ssyncset.done $0x0  }
0xaf: {  	[sflag:s14] =	ssyncadd.s32 $0xFFFFFF80  }
0xb0: {  	_ =	swait.ge [sflag:s14], $0x80  }
0xb1: {  	[sflag:s14] =	ssyncset.done $0x0  }
0xb2: {  	[sflag:s14] =	ssyncadd.s32 $0xFFFFFF80  }
0xb3: {  	_ =	swait.ge [sflag:s14], $0x80  }
0xb4: {  	[sflag:s14] =	ssyncset.done $0x0  }
0xb5: {  	[sflag:s14] =	ssyncadd.s32 $0xFFFFFF80  }
.Ltmp0:
0xb6: {  	_ =	swait.ge [sflag:s14], $0x80;
	(pc) =	sbr.rel @p0 .LBB2_2-.Ltmp0, $4  }
0xb7: {  	[sflag:s14] =	ssyncset.done $0x0  }
0xb8: {  	[sflag:s14] =	ssyncadd.s32 $0xFFFFFF80  }
0xb9: {  	_ =	swait.ge [sflag:s14], $0x80  }
0xba: {  	s19 =	smov.u32 s17;
	[sflag:s14] =	ssyncset.done $0x0  }
0xbb: {  	s16 =	sshra.s32 s16, $0x2;
	[sflag:s14] =	ssyncadd.s32 $0xFFFFFF80  }
0xbc: {  	[spmem:s2] =	stream.indirect.scatter.add.f32 [tilespmem:s12], [sflag:$0x1], $0x1, s16, s13, $0xb8;
	[tilespmem:$0x2B00] =	vst v63  }
0xbd: {  	s17 =	sadd.s32 $0x80, s16  }
0xbe: {  	[spmem:s2] =	stream.indirect.scatter.add.f32 [tilespmem:s12], [sflag:$0x1], $0x1, s17, s13, $0xb8;
	[tilespmem:$0x2B00] =	vst v63  }
0xbf: {  	s18 =	sadd.s32 $0x100, s16  }
0xc0: {  	[spmem:s2] =	stream.indirect.scatter.add.f32 [tilespmem:s12], [sflag:$0x1], $0x1, s18, s13, $0xb8;
	[tilespmem:$0x2B00] =	vst v63  }
0xc1: {  	s19 =	sadd.s32 $0x180, s16  }
0xc2: {  	[spmem:s2] =	stream.indirect.scatter.add.f32 [tilespmem:s12], [sflag:$0x1], $0x1, s19, s13, $0xb8;
	[tilespmem:$0x2B00] =	vst v63  }
0xc3: {  	s20 =	sadd.s32 $0x200, s16  }
0xc4: {  	[spmem:s2] =	stream.indirect.scatter.add.f32 [tilespmem:s12], [sflag:$0x1], $0x1, s20, s13, $0xb8;
	[tilespmem:$0x2B00] =	vst v63  }
0xc5: {  	s21 =	sadd.s32 $0x280, s16  }
0xc6: {  	[spmem:s2] =	stream.indirect.scatter.add.f32 [tilespmem:s12], [sflag:$0x1], $0x1, s21, s13, $0xb8;
	[tilespmem:$0x2B00] =	vst v63  }
0xc7: {  	s22 =	sadd.s32 $0x300, s16  }
0xc8: {  	[spmem:s2] =	stream.indirect.scatter.add.f32 [tilespmem:s12], [sflag:$0x1], $0x1, s22, s13, $0xb8;
	[tilespmem:$0x2B00] =	vst v63  }
0xc9: {  	s23 =	sadd.s32 $0x380, s16  }
0xca: {  	[spmem:s2] =	stream.indirect.scatter.add.f32 [tilespmem:s12], [sflag:$0x1], $0x1, s23, s13, $0xb8;
	[tilespmem:$0x2B00] =	vst v63  }
0xcb: {  	s24 =	sadd.s32 $0x400, s16  }
0xcc: {  	[spmem:s2] =	stream.indirect.scatter.add.f32 [tilespmem:s12], [sflag:$0x1], $0x1, s24, s13, $0xb8;
	[tilespmem:$0x2B00] =	vst v63  }
0xcd: {  	s25 =	sadd.s32 $0x480, s16  }
0xce: {  	[spmem:s2] =	stream.indirect.scatter.add.f32 [tilespmem:s12], [sflag:$0x1], $0x1, s25, s13, $0xb8;
	[tilespmem:$0x2B00] =	vst v63  }
0xcf: {  	s26 =	sadd.s32 $0x500, s16  }
0xd0: {  	[spmem:s2] =	stream.indirect.scatter.add.f32 [tilespmem:s12], [sflag:$0x1], $0x1, s26, s13, $0xb8;
	[tilespmem:$0x2B00] =	vst v63  }
0xd1: {  	s28 =	sadd.s32 $0x580, s16  }
0xd2: {  	[spmem:s2] =	stream.indirect.scatter.add.f32 [tilespmem:s12], [sflag:$0x1], $0x1, s28, s13, $0xb8;
	[tilespmem:$0x2B00] =	vst v63  }
0xd3: {  	s29 =	sadd.s32 $0x600, s16  }
0xd4: {  	[spmem:s2] =	stream.indirect.scatter.add.f32 [tilespmem:s12], [sflag:$0x1], $0x1, s29, s13, $0xb8;
	[tilespmem:$0x2B00] =	vst v63  }
0xd5: {  	s30 =	sadd.s32 $0x680, s16  }
0xd6: {  	[spmem:s2] =	stream.indirect.scatter.add.f32 [tilespmem:s12], [sflag:$0x1], $0x1, s30, s13, $0xb8;
	[tilespmem:$0x2B00] =	vst v63  }
0xd7: {  	s31 =	sadd.s32 $0x700, s16  }
0xd8: {  	[spmem:s2] =	stream.indirect.scatter.add.f32 [tilespmem:s12], [sflag:$0x1], $0x1, s31, s13, $0xb8;
	[tilespmem:$0x2B00] =	vst v63  }
0xd9: {  	s16 =	sadd.s32 $0x780, s16  }
0xda: {  	[spmem:s2] =	stream.indirect.scatter.add.f32 [tilespmem:s12], [sflag:$0x1], $0x1, s16, s13, $0xb8;
	[tilespmem:$0x2B00] =	vst v63  }
0xdb: {  	_ =	swait.ge [sflag:s14], $0x80  }
0xdc: {  	[sflag:s14] =	ssyncset.done $0x0  }
0xdd: {  	[sflag:s14] =	ssyncadd.s32 $0xFFFFFF80  }
0xde: {  	_ =	swait.ge [sflag:s14], $0x80  }
0xdf: {  	[sflag:s14] =	ssyncset.done $0x0  }
0xe0: {  	[sflag:s14] =	ssyncadd.s32 $0xFFFFFF80  }
0xe1: {  	_ =	swait.ge [sflag:s14], $0x80  }
0xe2: {  	[sflag:s14] =	ssyncset.done $0x0  }
0xe3: {  	[sflag:s14] =	ssyncadd.s32 $0xFFFFFF80  }
0xe4: {  	_ =	swait.ge [sflag:s14], $0x80  }
0xe5: {  	[sflag:s14] =	ssyncset.done $0x0  }
0xe6: {  	[sflag:s14] =	ssyncadd.s32 $0xFFFFFF80  }
0xe7: {  	_ =	swait.ge [sflag:s14], $0x80  }
0xe8: {  	[sflag:s14] =	ssyncset.done $0x0  }
0xe9: {  	[sflag:s14] =	ssyncadd.s32 $0xFFFFFF80  }
0xea: {  	_ =	swait.ge [sflag:s14], $0x80  }
0xeb: {  	[sflag:s14] =	ssyncset.done $0x0  }
0xec: {  	[sflag:s14] =	ssyncadd.s32 $0xFFFFFF80  }
0xed: {  	_ =	swait.ge [sflag:s14], $0x80  }
0xee: {  	[sflag:s14] =	ssyncset.done $0x0  }
0xef: {  	[sflag:s14] =	ssyncadd.s32 $0xFFFFFF80  }
0xf0: {  	_ =	swait.ge [sflag:s14], $0x80  }
0xf1: {  	[sflag:s14] =	ssyncset.done $0x0  }
0xf2: {  	[sflag:s14] =	ssyncadd.s32 $0xFFFFFF80  }
0xf3: {  	_ =	swait.ge [sflag:s14], $0x80  }
0xf4: {  	[sflag:s14] =	ssyncset.done $0x0  }
0xf5: {  	[sflag:s14] =	ssyncadd.s32 $0xFFFFFF80  }
0xf6: {  	_ =	swait.ge [sflag:s14], $0x80  }
0xf7: {  	[sflag:s14] =	ssyncset.done $0x0  }
0xf8: {  	[sflag:s14] =	ssyncadd.s32 $0xFFFFFF80  }
0xf9: {  	_ =	swait.ge [sflag:s14], $0x80  }
0xfa: {  	[sflag:s14] =	ssyncset.done $0x0  }
0xfb: {  	[sflag:s14] =	ssyncadd.s32 $0xFFFFFF80  }
0xfc: {  	_ =	swait.ge [sflag:s14], $0x80  }
0xfd: {  	[sflag:s14] =	ssyncset.done $0x0  }
0xfe: {  	[sflag:s14] =	ssyncadd.s32 $0xFFFFFF80  }
0xff: {  	_ =	swait.ge [sflag:s14], $0x80  }
0x100: {  	[sflag:s14] =	ssyncset.done $0x0  }
0x101: {  	[sflag:s14] =	ssyncadd.s32 $0xFFFFFF80  }
0x102: {  	_ =	swait.ge [sflag:s14], $0x80  }
0x103: {  	[sflag:s14] =	ssyncset.done $0x0  }
0x104: {  	[sflag:s14] =	ssyncadd.s32 $0xFFFFFF80  }
0x105: {  	_ =	swait.ge [sflag:s14], $0x80  }
0x106: {  	[sflag:s14] =	ssyncset.done $0x0  }
0x107: {  	[sflag:s14] =	ssyncadd.s32 $0xFFFFFF80  }
0x108: {  	_ =	swait.ge [sflag:s14], $0x80  }
0x109: {  	s15 =	sadd.s32 $0x1, s15;
	[sflag:s14] =	ssyncset.done $0x0  }
0x10a: {  	p0 =	sne.s32 s15, s9;
	[sflag:s14] =	ssyncadd.s32 $0xFFFFFF80  }
.Ltmp1:
0x10b: {  	[bflag:$0x0] =	sbarrier.arrive $0xFFFF;
	(pc) =	sbr.rel @p0 .LBB2_1-.Ltmp1, $4  }
0x10c: {  	[hbm:s8], [sflag:s6] =	dma.local [spmem:s10], $0x50  }
0x10d: {  	_ =	swait.ge [sflag:s11], $0x50  }
0x10e: {  	[sflag:s11] =	ssyncset.done $0x0  }
0x10f: {  	[sflag:s11] =	ssyncadd.s32 $0xFFFFFFB0  }
0x110: {  	_ =	sfence.sel $0x180000  }
0x111: {  	[bflag:$0x0] =	sbarrier.arrive $0xFFFF  }
0x112: {  	p0 =	sne.s32 s1, $0x0;
	_ =	strace $0x90000047  }
0x113: {  	s0 =	sadd.s32 @!p0 $0x100000, s0;
	[bflag:$0x2] =	sbarrier.arrive $0xFFFF  }
0x114: {  	[sflag:s0] =	ssyncadd.tile.s32 @!p0 $0x1;
	_ =	shalt  }
.Lfunc_end2:
_tile_overlayer_lowered:
.L_overlay_start_2:
0x115: {  	(tag) =	ssettag $0x2  }
0x116: {  	s0 =	rddreg [dreg:$0x0];
	s2 =	stileid.u32  }
0x117: {  	s1 =	rddreg [dreg:$0x1];
	p0 =	sne.s32 s2, $0x0  }
0x118: {  	s3 =	rddreg [dreg:$0x2];
	[bflag:$0x3] =	sbarrier.arrive $0xFFFF;
	s2 =	simm.s32 @!p0 $0x1C02  }
0x119: {  	[timem:s3], [sflag:s2] =	dma.local @!p0 [hbm:s0], s1  }
0x11a: {  	s0 =	simm.s32 @!p0 $0x2  }
0x11b: {  	_ =	swait.ge @!p0 [sflag:s0], s1  }
0x11c: {  	s1 =	ssub.s32 @!p0 $0x0, s1;
	[sflag:s0] =	ssyncset.done @!p0 $0x0  }
0x11d: {  	[sflag:s0] =	ssyncadd.s32 @!p0 s1  }
0x11e: {  	[bflag:$0x3] =	sbarrier.arrive $0xFFFF  }
0x11f: {  	_ =	shalt  }

// kernel: kernel.13.cloned.1.call-start
scs
__scs_entry_jumppad:
0x0: {  	(pc) =	sbr.rel $0x88, $3  }
0x1: {  	(tag) =	ssettag $0x0;
	lr =	simm.s32 $0x1  }
0x2: {  	[smem:$0x3F9B] =	sst lr;
	_ =	strace $0xD0000000  }
0x3: {  	_ = 	snop  }
0x4: {  	_ = 	snop  }
0x5: {  	_ = 	snop  }
0x6: {  	_ = 	snop  }
0x7: {  	_ = 	snop  }
__scs_overlays_trampoline_lowered:
0x8: {  	[smem:$0x3FAA] =	sst s0  }
0x9: {  	[smem:$0x3FAB] =	sst s1  }
0xa: {  	[smem:$0x3FAC] =	sst s2  }
0xb: {  	[smem:$0x3FAD] =	sst s3  }
0xc: {  	[smem:$0x3FAE] =	sst s4  }
0xd: {  	[smem:$0x3FAF] =	sst s5  }
0xe: {  	[smem:$0x3FB0] =	sst s6  }
0xf: {  	[smem:$0x3FB1] =	sst s7  }
0x10: {  	[smem:$0x3FB2] =	sst s8  }
0x11: {  	[smem:$0x3FB3] =	sst s9;
	s0 =	simm.s32 @!p0 $0x0  }
0x12: {  	s1 =	sld [smem:$0x3F99];
	s0 =	simm.s32 @p0 $0x1  }
0x13: {  	[smem:$0x3FB4] =	sst s0;
	s0 =	simm.s32 @!p1 $0x0  }
0x14: {  	s2 =	sld [smem:$0x3F98];
	s0 =	simm.s32 @p1 $0x1  }
0x15: {  	[smem:$0x3FB5] =	sst s0;
	s0 =	simm.s32 @!p2 $0x0  }
0x16: {  	s3 =	sld [smem:$0x3FDB];
	s0 =	simm.s32 @p2 $0x1  }
0x17: {  	s4 =	simm.s32 $0x1BF5;
	[smem:$0x3FB7] =	sst s0  }
0x18: {  	s0 =	sld [smem:$0x3F9A];
	_ =	swait.ge [sflag:s4], $0x0  }
0x19: {  	s7 =	sld [smem:$0x3F9B]  }
0x1a: {  	s8 =	sadd.s32 $0xFFFFE003, lr  }
0x1b: {  	s9 =	sadd.s32 $0xFFFFFEF7, lr;
	s5 =	simm.s32 $0xFFFFFFFF;
	p2 =	slt.u32 s8, $0xFFFFF086  }
0x1c: {  	p1 =	slt.u32 s9, $0xF7A;
	s5 =	simm.s32 @!p2 $0x0  }
0x1d: {  	s5 =	simm.s32 @p1 $0x1;
	p0 =	seq.s32 s7, s2  }
0x1e: {  	s7 =	smul.u32 @!p0 $0xF7A, s2;
	p2 =	seq.s32 @!p0 s5, $0x0  }
0x1f: {  	s9 =	smul.u32 $0xF7A, s1;
	s8 =	simm.s32 @!p0 $0x1BF5;
	p2 =	por !p2, p0  }
0x20: {  	[sflag:s8] =	ssyncset.s32 @!p0 $0xFFFFF086;
	s6 =	sadd.s32 @!p0 s3, s7;
	s7 =	simm.s32 @!p0 $0x108  }
0x21: {  	s3 =	sadd.s32 s3, s9;
	s6 =	sadd.s32 @!p0 $0x88, s6;
	s7 =	simm.s32 @p2 $0x1082  }
0x22: {  	[simem:s7], [sflag:s8] =	dma.local @!p0 [hbm:s6], $0xF7A  }
0x23: {  	s9 =	sor.u32 $0xD0000000, s2;
	s6 =	simm.s32 $0x108;
	_ =	swait.ge @!p0 [sflag:s8], $0x0  }
0x24: {  	s3 =	sadd.s32 $0x88, s3;
	s6 =	simm.s32 @!p1 $0x1082;
	[sflag:s4] =	ssyncset.s32 $0xFFFFF086  }
0x25: {  	[simem:s6], [sflag:s4] =	dma.local [hbm:s3], $0xF7A  }
0x26: {  	[smem:$0x3F9B] =	sst s1;
	(tag) =	ssettag s2;
	_ =	strace s9  }
0x27: {  	s1 =	sld [smem:$0x3FAB]  }
0x28: {  	s2 =	sld [smem:$0x3FAC]  }
0x29: {  	s4 =	sld [smem:$0x3FAE]  }
0x2a: {  	p0 =	seq.s32 s5, $0x0;
	s5 =	sld [smem:$0x3FAF]  }
0x2b: {  	s6 =	sld [smem:$0x3FB0]  }
0x2c: {  	s7 =	sld [smem:$0x3FB1]  }
0x2d: {  	s3 =	simm.s32 $0x108;
	s8 =	sld [smem:$0x3FB2]  }
0x2e: {  	s3 =	simm.s32 @!p0 $0x1082;
	s9 =	sld [smem:$0x3FB3]  }
0x2f: {  	lr =	sadd.s32 s0, s3;
	s0 =	sld [smem:$0x3FAA]  }
0x30: {  	s3 =	sld [smem:$0x3FAD]  }
0x31: {  	[smem:$0x3FB6] =	sst s10  }
0x32: {  	s10 =	sld [smem:$0x3FB4];
	_ =	sdelay $0x3  }
0x33: {  	p0 =	seq.s32 s10, $0x1;
	s10 =	sld [smem:$0x3FB6];
	_ =	sdelay $0x3  }
0x34: {  	[smem:$0x3FB6] =	sst s10  }
0x35: {  	s10 =	sld [smem:$0x3FB5];
	_ =	sdelay $0x3  }
0x36: {  	p1 =	seq.s32 s10, $0x1;
	s10 =	sld [smem:$0x3FB6];
	_ =	sdelay $0x3  }
0x37: {  	[smem:$0x3FB6] =	sst s10  }
0x38: {  	s10 =	sld [smem:$0x3FB7]  }
0x39: {  	_ = 	snop;
	(pc) =	sbr.ind lr, $3  }
0x3a: {  	_ = 	snop  }
0x3b: {  	_ = 	snop  }
0x3c: {  	p2 =	seq.s32 s10, $0x1;
	s10 =	sld [smem:$0x3FB6]  }
0x3d: {  	_ =	shalt  }
0x3e: {  	_ =	shalt  }
0x3f: {  	_ =	shalt  }
0x40: {  	_ =	shalt  }
0x41: {  	_ =	shalt  }
0x42: {  	_ =	shalt  }
0x43: {  	_ =	shalt  }
0x44: {  	_ =	shalt  }
0x45: {  	_ =	shalt  }
0x46: {  	_ =	shalt  }
0x47: {  	_ =	shalt  }
0x48: {  	_ =	shalt  }
0x49: {  	_ =	shalt  }
0x4a: {  	_ =	shalt  }
0x4b: {  	_ =	shalt  }
0x4c: {  	_ =	shalt  }
0x4d: {  	_ =	shalt  }
0x4e: {  	_ =	shalt  }
0x4f: {  	_ =	shalt  }
0x50: {  	_ =	shalt  }
0x51: {  	_ =	shalt  }
0x52: {  	_ =	shalt  }
0x53: {  	_ =	shalt  }
0x54: {  	_ =	shalt  }
0x55: {  	_ =	shalt  }
0x56: {  	_ =	shalt  }
0x57: {  	_ =	shalt  }
0x58: {  	_ =	shalt  }
0x59: {  	_ =	shalt  }
0x5a: {  	_ =	shalt  }
0x5b: {  	_ =	shalt  }
0x5c: {  	_ =	shalt  }
0x5d: {  	_ =	shalt  }
0x5e: {  	_ =	shalt  }
0x5f: {  	_ =	shalt  }
0x60: {  	_ =	shalt  }
0x61: {  	_ =	shalt  }
0x62: {  	_ =	shalt  }
0x63: {  	_ =	shalt  }
0x64: {  	_ =	shalt  }
0x65: {  	_ =	shalt  }
0x66: {  	_ =	shalt  }
0x67: {  	_ =	shalt  }
0x68: {  	_ =	shalt  }
0x69: {  	_ =	shalt  }
0x6a: {  	_ =	shalt  }
0x6b: {  	_ =	shalt  }
0x6c: {  	_ =	shalt  }
0x6d: {  	_ =	shalt  }
0x6e: {  	_ =	shalt  }
0x6f: {  	_ =	shalt  }
0x70: {  	_ =	shalt  }
0x71: {  	_ =	shalt  }
0x72: {  	_ =	shalt  }
0x73: {  	_ =	shalt  }
0x74: {  	_ =	shalt  }
0x75: {  	_ =	shalt  }
0x76: {  	_ =	shalt  }
0x77: {  	_ =	shalt  }
0x78: {  	_ =	shalt  }
0x79: {  	_ =	shalt  }
0x7a: {  	_ =	shalt  }
0x7b: {  	_ =	shalt  }
0x7c: {  	_ =	shalt  }
0x7d: {  	_ =	shalt  }
0x7e: {  	_ =	shalt  }
0x7f: {  	_ =	shalt  }
0x80: {  	_ =	shalt  }
0x81: {  	_ =	shalt  }
0x82: {  	_ =	shalt  }
0x83: {  	_ =	shalt  }
0x84: {  	_ =	shalt  }
0x85: {  	_ =	shalt  }
0x86: {  	_ =	shalt  }
0x87: {  	_ =	shalt  }
.Lfunc_end0:
.L_simem_size_0:
called_computation.1_lowered:
.L_overlay_start_0:
0x88: {  	s2 =	sld [smem:$0x3FD9]  }
0x89: {  	s3 =	sld [smem:$0x3FFE];
	_ =	sdelay $0x1  }
0x8a: {  	s1 =	srdreg.scid  }
0x8b: {  	s0 =	sand.u32 $0x1, s1  }
0x8c: {  	s17 =	sshll.u32 s0, $0xA;
	s2 =	sadd.s32 s3, s2  }
0x8d: {  	s2 =	sadd.s32 s2, s17  }
0x8e: {  	[smem:$0x3FC2] =	sst s2  }
0x8f: {  	_ = 	snop  }
0x90: {  	s2 =	sld [smem:$0x3FD0];
	(tm) =	ssettm $0x1  }
0x91: {  	s18 =	sld [smem:$0x3FFB];
	_ =	sdelay $0x3  }
0x92: {  	_ =	strace s18  }
0x93: {  	s3 =	sld [smem:$0x3FFC];
	_ =	sdelay $0x3  }
0x94: {  	_ =	strace s3  }
0x95: {  	s3 =	sld [smem:$0x3FFD];
	_ =	sdelay $0x3  }
0x96: {  	_ =	strace s3  }
0x97: {  	_ =	strace $0x8FFFFFFF  }
0x98: {  	s19 =	sld [smem:$0x3FDB];
	_ =	sdelay $0x1  }
0x99: {  	s4 =	simm.s32 $_scs_section_size  }
0x9a: {  	s5 =	simm.s32 $_size__tile_overlayer_lowered;
	s6 =	simm.s32 $_tile_overlayer_lowered  }
0x9b: {  	s22 =	simm.s32 $0x1BFF;
	s21 =	sshll.u32 s6, $0x1;
	s3 =	sadd.s32 s4, s19  }
0x9c: {  	s7 =	simm.s32 $0x0;
	s20 =	sshll.u32 s5, $0x1;
	s5 =	sadd.s32 s21, s3  }
0x9d: {  	[timem:s7], [sflag:s22] =	dma.local [hbm:s5], s20  }
0x9e: {  	_ =	swait.ge [sflag:s22], s20  }
0x9f: {  	s4 =	ssub.s32 $0x0, s20;
	[sflag:s22] =	ssyncset.done $0x0  }
0xa0: {  	[sflag:s22] =	ssyncadd.s32 s4;
	_ =	sdelay $0x1  }
0xa1: {  	s23 =	simm.s32 $0x1B8B  }
0xa2: {  	_ =	swait.ge [sflag:s23], $0x1  }
0xa3: {  	[sflag:s23] =	ssyncset.done $0x0  }
0xa4: {  	s25 =	simm.s32 $0x1B8E;
	s24 =	sld [smem:$0x3FFE];
	[sflag:s23] =	ssyncadd.s32 $0xFFFFFFFF  }
0xa5: {  	s26 =	simm.s32 $execute0_lowered;
	[smem:$0x3FD2] =	sst s25  }
0xa6: {  	s5 =	sshll.u32 s26, $0x1;
	_ =	strace $0x80000049;
	[dreg:$0x1] =	wrdreg $0xFFFFFFFF  }
0xa7: {  	s28 =	simm.s32 $_size_execute0_lowered;
	s3 =	sadd.s32 s3, s5;
	[dreg:$0x0] =	wrdreg $0x0  }
0xa8: {  	s5 =	sshll.u32 s28, $0x1;
	[dreg:$0x2] =	wrdreg s3  }
0xa9: {  	[dreg:$0x3] =	wrdreg s5  }
0xaa: {  	[dreg:$0x4] =	wrdreg $0xC0  }
0xab: {  	_ =	task [dreg:s7], $0x5FFFF  }
0xac: {  	[dreg:$0x1] =	wrdreg $0xFFFFFFFF  }
0xad: {  	[dreg:$0x0] =	wrdreg $0x60  }
0xae: {  	[dreg:$0x2] =	wrdreg s24  }
0xaf: {  	[dreg:$0x3] =	wrdreg s2  }
0xb0: {  	[dreg:$0x4] =	wrdreg $0xA8000  }
0xb1: {  	[dreg:$0x5] =	wrdreg $0x9  }
0xb2: {  	_ =	task.clear_ibuf [dreg:s7], $0x6FFFF;
	_ =	strace $0x90000049  }
0xb3: {  	s29 =	simm.s32 $0x9;
	_ =	strace $0x8000004B  }
0xb4: {  	_ =	swait.ge [sflag:s29], $0x1  }
0xb5: {  	[sflag:s29] =	ssyncadd.s32 $0xFFFFFFFF  }
0xb6: {  	_ =	strace $0x9000004B  }
0xb7: {  	_ =	sfence  }
0xb8: {  	s30 =	sld [smem:$0x0];
	_ =	sdelay $0x2  }
0xb9: {  	s31 =	sshll.u32 s1, $0xD;
	s1 =	sshrl.u32 s1, $0x2  }
0xba: {  	s3 =	sand.u32 $0x4000, s31;
	s1 =	sadd.s32 s1, s30  }
0xbb: {  	s0 =	sor.u32 s3, s0;
	s1 =	sshll.u32 s1, $0x11  }
0xbc: {  	s0 =	sor.u32 s1, s0  }
0xbd: {  	s0 =	sadd.s32 $0x8F2B, s0  }
0xbe: {  	[sflag:s0] =	ssyncadd.remote.s32 $0x1  }
0xbf: {  	_ =	sfence.sel $0xFFFF  }
0xc0: {  	[dreg:$0x0] =	wrdreg $0xFFFFFFFF;
	(pc) =	sbr.abs _section_cstart, $3  }
0xc1: {  	[dreg:$0x1] =	wrdreg $0xFFFFFFFF  }
0xc2: {  	_ =	task.clear_ibuf [dreg:s7], $0x2FFFF;
	_ =	strace $0x9FFFFFFF  }
0xc3: {  	(tm) =	ssettm $0x7FFFFFFF  }
tec
execute0_lowered:
.L_overlay_start_1:
0x0: {  	(tag) =	ssettag $0x1  }
0x1: {  	s5 =	rddreg [dreg:$0x0]  }
0x2: {  	s9 =	rddreg [dreg:$0x1]  }
0x3: {  	s1 =	rddreg [dreg:$0x2]  }
0x4: {  	s0 =	rddreg [dreg:$0x3];
	s3 =	simm.s32 $0x0;
	s2 =	srdreg.scid  }
0x5: {  	s16 =	simm.s32 $0x2800;
	s17 =	simm.s32 $0x3;
	s18 =	simm.s32 $0x1400  }
0x6: {  	s19 =	simm.s32 $0x80;
	s20 =	simm.s32 $0x6800;
	s21 =	simm.s32 $0x1  }
0x7: {  	s22 =	simm.s32 $0x2;
	[smem:$0x7FF] =	sst s3;
	s6 =	sand.u32 $0x1, s2  }
0x8: {  	s23 =	simm.s32 $0x2700;
	s2 =	stileid.u32;
	s7 =	smul.u32 $0x140000, s6  }
0x9: {  	s4 =	sadd.s32 $0xCA00, s5;
	s8 =	smul.u32 $0x14000, s2;
	s11 =	sshll.u32 s2, $0x1  }
0xa: {  	s10 =	sadd.s32 $0x2A00, s5;
	s25 =	smul.u32 $0x50000, s2;
	s24 =	sor.u32 s6, s11  }
0xb: {  	_ =	strace $0x8000004A;
	s6 =	ssub.s32 $0x2, s6;
	s12 =	smul.u32 $0x2800, s24  }
0xc: {  	s7 =	sadd.s32 s8, s7;
	s26 =	sshrl.u32 s6, $0x1;
	s28 =	smul.u32 $0x500, s24  }
0xd: {  	s29 =	sshrl.u32 s25, $0x2;
	s24 =	simm.s32 $0x2780;
	s7 =	sshrl.u32 s7, $0x3  }
0xe: {  	s14 =	ssub.s32 s6, s26;
	s13 =	sadd.s32 s7, s5;
	s30 =	sshrl.u32 s12, $0x3  }
0xf: {  	s5 =	sadd.s32 s29, s1;
	s6 =	sadd.s32 s10, s28;
	s7 =	sadd.s32 s9, s28  }
0x10: {  	s11 =	smax.u32 s14, $0x1;
	s31 =	sadd.s32 $0x280, s30;
	s12 =	sadd.s32 $0x4000, s5  }
0x11: {  	s14 =	sadd.s32 $0xC000, s5;
	s15 =	sadd.s32 $0x10000, s5;
	s8 =	sadd.s32 s10, s31  }
0x12: {  	v0 =	vimm.f32 $0.0e+00;
	s9 =	sadd.s32 s9, s31;
	s10 =	sadd.s32 $0x34A00, s13;
	s13 =	sadd.s32 $0x8000, s5  }
.LBB2_1:
0x13: {  	s25 =	simm.s32 $0x0;
	s26 =	simm.s32 $0x200  }
.LBB2_2:
0x14: {  	p0 =	sne.s32 s26, $0xFE00;
	[tilespmem:s25+$0x2870] =	vst v0  }
0x15: {  	[tilespmem:s25+$0x2800] =	vst v0  }
0x16: {  	[tilespmem:s25+$0x2810] =	vst v0  }
.Ltmp0:
0x17: {  	[tilespmem:s25+$0x2820] =	vst v0;
	(pc) =	sbr.rel @p0 .LBB2_2-.Ltmp0, $4  }
0x18: {  	[tilespmem:s25+$0x2830] =	vst v0  }
0x19: {  	[tilespmem:s25+$0x2840] =	vst v0  }
0x1a: {  	[tilespmem:s25+$0x2850] =	vst v0  }
0x1b: {  	[tilespmem:s25+$0x2860] =	vst v0;
	s25 =	sshra.s32 s26, $0x2;
	s26 =	sadd.s32 $0x200, s26  }
0x1c: {  	[tilespmem:s25+$0x2870] =	vst v0  }
0x1d: {  	[tilespmem:s25+$0x2800] =	vst v0  }
0x1e: {  	[tilespmem:s25+$0x2810] =	vst v0  }
0x1f: {  	[tilespmem:s25+$0x2820] =	vst v0  }
0x20: {  	[tilespmem:s25+$0x2830] =	vst v0  }
0x21: {  	[tilespmem:s25+$0x2840] =	vst v0  }
0x22: {  	[tilespmem:s25+$0x2850] =	vst v0  }
0x23: {  	[tilespmem:s25+$0x2860] =	vst v0  }
0x24: {  	[spmem:s5] =	stream.linear.scatter [tilespmem:s16], [sflag:$0x3], $0x4000, $0x38;
	[tilespmem:$0x1E800] =	vst v63  }
0x25: {  	_ =	swait.ge [sflag:s17], $0x4000  }
0x26: {  	[sflag:s17] =	ssyncset.done $0x0  }
0x27: {  	[sflag:s17] =	ssyncadd.s32 $0xFFFFC000  }
0x28: {  	[spmem:s12] =	stream.linear.scatter [tilespmem:s16], [sflag:$0x3], $0x4000, $0x38;
	[tilespmem:$0x1E800] =	vst v63  }
0x29: {  	_ =	swait.ge [sflag:s17], $0x4000  }
0x2a: {  	[sflag:s17] =	ssyncset.done $0x0  }
0x2b: {  	[sflag:s17] =	ssyncadd.s32 $0xFFFFC000  }
0x2c: {  	[spmem:s13] =	stream.linear.scatter [tilespmem:s16], [sflag:$0x3], $0x4000, $0x38;
	[tilespmem:$0x1E800] =	vst v63  }
0x2d: {  	_ =	swait.ge [sflag:s17], $0x4000  }
0x2e: {  	[sflag:s17] =	ssyncset.done $0x0  }
0x2f: {  	[sflag:s17] =	ssyncadd.s32 $0xFFFFC000  }
0x30: {  	[spmem:s14] =	stream.linear.scatter [tilespmem:s16], [sflag:$0x3], $0x4000, $0x38;
	[tilespmem:$0x1E800] =	vst v63  }
0x31: {  	_ =	swait.ge [sflag:s17], $0x4000  }
0x32: {  	[sflag:s17] =	ssyncset.done $0x0  }
0x33: {  	[sflag:s17] =	ssyncadd.s32 $0xFFFFC000  }
0x34: {  	[spmem:s15] =	stream.linear.scatter [tilespmem:s16], [sflag:$0x3], $0x4000, $0x38;
	[tilespmem:$0x1E800] =	vst v63  }
0x35: {  	_ =	swait.ge [sflag:s17], $0x4000  }
0x36: {  	[sflag:s17] =	ssyncset.done $0x0  }
0x37: {  	[sflag:s17] =	ssyncadd.s32 $0xFFFFC000  }
0x38: {  	s28 =	simm.s32 $0x0;
	[bflag:$0x0] =	sbarrier.arrive $0xFFFF  }
0x39: {  	[tilespmem:s28], [sflag:$0x3] =	stream.linear.gather [hbm4b:s6+s28], $0x1400, $0x38;
	[tilespmem:$0x1E800] =	vst v63  }
0x3a: {  	_ =	swait.ge [sflag:s17], $0x1400  }
0x3b: {  	[sflag:s17] =	ssyncset.done $0x0  }
0x3c: {  	[sflag:s17] =	ssyncadd.s32 $0xFFFFEC00  }
0x3d: {  	[tilespmem:s18], [sflag:$0x3] =	stream.linear.gather [hbm4b:s7+s28], $0x1400, $0x38;
	[tilespmem:$0x1E800] =	vst v63  }
0x3e: {  	_ =	swait.ge [sflag:s17], $0x1400  }
0x3f: {  	[sflag:s17] =	ssyncset.done $0x0  }
0x40: {  	[sflag:s17] =	ssyncadd.s32 $0xFFFFEC00  }
0x41: {  	[tilespmem:s16], [sflag:$0x1] =	stream.indirect.gather [hbm4b:s4+s19], $0x80, s28, s19, $0xb8;
	[tilespmem:$0x1E800] =	vst v63  }
0x42: {  	_ = 	snop  }
0x43: {  	[tilespmem:s20], [sflag:$0x2] =	stream.indirect.gather [hbm4b:s4+s19], $0x80, s19, s19, $0xb8;
	[tilespmem:$0x1E800] =	vst v63  }
0x44: {  	_ =	swait.ge [sflag:s21], $0x4000  }
0x45: {  	[sflag:s21] =	ssyncset.done $0x0  }
0x46: {  	s29 =	simm.s32 $0x1400;
	[sflag:s21] =	ssyncadd.s32 $0xFFFFC000  }
0x47: {  	[spmem:s1] =	stream.indirect.scatter.add.f32 [tilespmem:s16], [sflag:$0x3], $0x80, s29, s19, $0xb8;
	[tilespmem:$0x1E800] =	vst v63  }
0x48: {  	_ =	swait.ge [sflag:s17], $0x4000  }
0x49: {  	[sflag:s17] =	ssyncset.done $0x0  }
0x4a: {  	s30 =	simm.s32 $0x100;
	[sflag:s17] =	ssyncadd.s32 $0xFFFFC000  }
0x4b: {  	[tilespmem:s16], [sflag:$0x1] =	stream.indirect.gather [hbm4b:s4+s19], $0x80, s30, s19, $0xb8;
	[tilespmem:$0x1E800] =	vst v63  }
0x4c: {  	_ =	swait.ge [sflag:s22], $0x4000  }
0x4d: {  	[sflag:s22] =	ssyncset.done $0x0  }
0x4e: {  	s31 =	simm.s32 $0x1480;
	[sflag:s22] =	ssyncadd.s32 $0xFFFFC000  }
0x4f: {  	[spmem:s1] =	stream.indirect.scatter.add.f32 [tilespmem:s20], [sflag:$0x3], $0x80, s31, s19, $0xb8;
	[tilespmem:$0x1E800] =	vst v63  }
0x50: {  	_ =	swait.ge [sflag:s17], $0x4000  }
0x51: {  	[sflag:s17] =	ssyncset.done $0x0  }
0x52: {  	s25 =	simm.s32 $0x400;
	s26 =	simm.s32 $0x180;
	[sflag:s17] =	ssyncadd.s32 $0xFFFFC000  }
.LBB2_4:
0x53: {  	[tilespmem:s20], [sflag:$0x2] =	stream.indirect.gather [hbm4b:s4+s19], $0x80, s26, s19, $0xb8;
	[tilespmem:$0x1E800] =	vst v63  }
0x54: {  	s26 =	smov.u32 s25  }
0x55: {  	p0 =	sne.s32 s25, $0x4800;
	s25 =	sadd.s32 $0x400, s25;
	_ =	swait.ge [sflag:s21], $0x4000  }
0x56: {  	s26 =	sshra.s32 s26, $0x2;
	[sflag:s21] =	ssyncset.done $0x0  }
0x57: {  	s28 =	sadd.s32 $0x1400, s26;
	[sflag:s21] =	ssyncadd.s32 $0xFFFFC000  }
0x58: {  	[spmem:s1] =	stream.indirect.scatter.add.f32 [tilespmem:s16], [sflag:$0x3], $0x80, s28, s19, $0xb8;
	[tilespmem:$0x1E800] =	vst v63  }
0x59: {  	_ =	swait.ge [sflag:s17], $0x4000  }
0x5a: {  	[sflag:s17] =	ssyncset.done $0x0  }
0x5b: {  	s28 =	sadd.s32 $0x100, s26;
	[sflag:s17] =	ssyncadd.s32 $0xFFFFC000  }
0x5c: {  	[tilespmem:s16], [sflag:$0x1] =	stream.indirect.gather [hbm4b:s4+s19], $0x80, s28, s19, $0xb8;
	[tilespmem:$0x1E800] =	vst v63  }
0x5d: {  	_ =	swait.ge [sflag:s22], $0x4000  }
0x5e: {  	[sflag:s22] =	ssyncset.done $0x0  }
.Ltmp1:
0x5f: {  	s28 =	sadd.s32 $0x1480, s26;
	[sflag:s22] =	ssyncadd.s32 $0xFFFFC000;
	(pc) =	sbr.rel @p0 .LBB2_4-.Ltmp1, $4  }
0x60: {  	[spmem:s1] =	stream.indirect.scatter.add.f32 [tilespmem:s20], [sflag:$0x3], $0x80, s28, s19, $0xb8;
	[tilespmem:$0x1E800] =	vst v63  }
0x61: {  	_ =	swait.ge [sflag:s17], $0x4000  }
0x62: {  	[sflag:s17] =	ssyncset.done $0x0  }
0x63: {  	s26 =	sadd.s32 $0x180, s26;
	[sflag:s17] =	ssyncadd.s32 $0xFFFFC000  }
0x64: {  	[tilespmem:s20], [sflag:$0x2] =	stream.indirect.gather [hbm4b:s4+s19], $0x80, s26, s19, $0xb8;
	[tilespmem:$0x1E800] =	vst v63  }
0x65: {  	_ =	swait.ge [sflag:s21], $0x4000  }
0x66: {  	[sflag:s21] =	ssyncset.done $0x0  }
0x67: {  	[sflag:s21] =	ssyncadd.s32 $0xFFFFC000  }
0x68: {  	[spmem:s1] =	stream.indirect.scatter.add.f32 [tilespmem:s16], [sflag:$0x3], $0x80, s23, s19, $0xb8;
	[tilespmem:$0x1E800] =	vst v63  }
0x69: {  	_ =	swait.ge [sflag:s17], $0x4000  }
0x6a: {  	[sflag:s17] =	ssyncset.done $0x0  }
0x6b: {  	[sflag:s17] =	ssyncadd.s32 $0xFFFFC000  }
0x6c: {  	_ =	swait.ge [sflag:s22], $0x4000  }
0x6d: {  	[sflag:s22] =	ssyncset.done $0x0  }
0x6e: {  	[sflag:s22] =	ssyncadd.s32 $0xFFFFC000  }
0x6f: {  	[spmem:s1] =	stream.indirect.scatter.add.f32 [tilespmem:s20], [sflag:$0x3], $0x80, s24, s19, $0xb8;
	[tilespmem:$0x1E800] =	vst v63  }
0x70: {  	_ =	swait.ge [sflag:s17], $0x4000  }
0x71: {  	[sflag:s17] =	ssyncset.done $0x0  }
0x72: {  	s25 =	simm.s32 $0x0;
	[sflag:s17] =	ssyncadd.s32 $0xFFFFC000  }
0x73: {  	[tilespmem:s25], [sflag:$0x3] =	stream.linear.gather [hbm4b:s8+s25], $0x1400, $0x38;
	[tilespmem:$0x1E800] =	vst v63  }
0x74: {  	_ =	swait.ge [sflag:s17], $0x1400  }
0x75: {  	[sflag:s17] =	ssyncset.done $0x0  }
0x76: {  	[sflag:s17] =	ssyncadd.s32 $0xFFFFEC00  }
0x77: {  	[tilespmem:s18], [sflag:$0x3] =	stream.linear.gather [hbm4b:s9+s25], $0x1400, $0x38;
	[tilespmem:$0x1E800] =	vst v63  }
0x78: {  	_ =	swait.ge [sflag:s17], $0x1400  }
0x79: {  	[sflag:s17] =	ssyncset.done $0x0  }
0x7a: {  	[sflag:s17] =	ssyncadd.s32 $0xFFFFEC00  }
0x7b: {  	[tilespmem:s16], [sflag:$0x1] =	stream.indirect.gather [hbm4b:s4+s19], $0x80, s25, s19, $0xb8;
	[tilespmem:$0x1E800] =	vst v63  }
0x7c: {  	_ = 	snop  }
0x7d: {  	[tilespmem:s20], [sflag:$0x2] =	stream.indirect.gather [hbm4b:s4+s19], $0x80, s19, s19, $0xb8;
	[tilespmem:$0x1E800] =	vst v63  }
0x7e: {  	_ =	swait.ge [sflag:s21], $0x4000  }
0x7f: {  	[sflag:s21] =	ssyncset.done $0x0  }
0x80: {  	s29 =	simm.s32 $0x1400;
	[sflag:s21] =	ssyncadd.s32 $0xFFFFC000  }
0x81: {  	[spmem:s1] =	stream.indirect.scatter.add.f32 [tilespmem:s16], [sflag:$0x3], $0x80, s29, s19, $0xb8;
	[tilespmem:$0x1E800] =	vst v63  }
0x82: {  	_ =	swait.ge [sflag:s17], $0x4000  }
0x83: {  	[sflag:s17] =	ssyncset.done $0x0  }
0x84: {  	s30 =	simm.s32 $0x100;
	[sflag:s17] =	ssyncadd.s32 $0xFFFFC000  }
0x85: {  	[tilespmem:s16], [sflag:$0x1] =	stream.indirect.gather [hbm4b:s4+s19], $0x80, s30, s19, $0xb8;
	[tilespmem:$0x1E800] =	vst v63  }
0x86: {  	_ =	swait.ge [sflag:s22], $0x4000  }
0x87: {  	[sflag:s22] =	ssyncset.done $0x0  }
0x88: {  	s31 =	simm.s32 $0x1480;
	[sflag:s22] =	ssyncadd.s32 $0xFFFFC000  }
0x89: {  	[spmem:s1] =	stream.indirect.scatter.add.f32 [tilespmem:s20], [sflag:$0x3], $0x80, s31, s19, $0xb8;
	[tilespmem:$0x1E800] =	vst v63  }
0x8a: {  	_ =	swait.ge [sflag:s17], $0x4000  }
0x8b: {  	[sflag:s17] =	ssyncset.done $0x0  }
0x8c: {  	s26 =	simm.s32 $0x180;
	s25 =	simm.s32 $0x400;
	[sflag:s17] =	ssyncadd.s32 $0xFFFFC000  }
.LBB2_6:
0x8d: {  	[tilespmem:s20], [sflag:$0x2] =	stream.indirect.gather [hbm4b:s4+s19], $0x80, s26, s19, $0xb8;
	[tilespmem:$0x1E800] =	vst v63  }
0x8e: {  	s26 =	smov.u32 s25  }
0x8f: {  	p0 =	sne.s32 s25, $0x4800;
	s25 =	sadd.s32 $0x400, s25;
	_ =	swait.ge [sflag:s21], $0x4000  }
0x90: {  	s26 =	sshra.s32 s26, $0x2;
	[sflag:s21] =	ssyncset.done $0x0  }
0x91: {  	s28 =	sadd.s32 $0x1400, s26;
	[sflag:s21] =	ssyncadd.s32 $0xFFFFC000  }
0x92: {  	[spmem:s1] =	stream.indirect.scatter.add.f32 [tilespmem:s16], [sflag:$0x3], $0x80, s28, s19, $0xb8;
	[tilespmem:$0x1E800] =	vst v63  }
0x93: {  	_ =	swait.ge [sflag:s17], $0x4000  }
0x94: {  	[sflag:s17] =	ssyncset.done $0x0  }
0x95: {  	s28 =	sadd.s32 $0x100, s26;
	[sflag:s17] =	ssyncadd.s32 $0xFFFFC000  }
0x96: {  	[tilespmem:s16], [sflag:$0x1] =	stream.indirect.gather [hbm4b:s4+s19], $0x80, s28, s19, $0xb8;
	[tilespmem:$0x1E800] =	vst v63  }
0x97: {  	_ =	swait.ge [sflag:s22], $0x4000  }
0x98: {  	[sflag:s22] =	ssyncset.done $0x0  }
.Ltmp2:
0x99: {  	s28 =	sadd.s32 $0x1480, s26;
	[sflag:s22] =	ssyncadd.s32 $0xFFFFC000;
	(pc) =	sbr.rel @p0 .LBB2_6-.Ltmp2, $4  }
0x9a: {  	[spmem:s1] =	stream.indirect.scatter.add.f32 [tilespmem:s20], [sflag:$0x3], $0x80, s28, s19, $0xb8;
	[tilespmem:$0x1E800] =	vst v63  }
0x9b: {  	_ =	swait.ge [sflag:s17], $0x4000  }
0x9c: {  	[sflag:s17] =	ssyncset.done $0x0  }
0x9d: {  	s26 =	sadd.s32 $0x180, s26;
	[sflag:s17] =	ssyncadd.s32 $0xFFFFC000  }
0x9e: {  	[tilespmem:s20], [sflag:$0x2] =	stream.indirect.gather [hbm4b:s4+s19], $0x80, s26, s19, $0xb8;
	[tilespmem:$0x1E800] =	vst v63  }
0x9f: {  	_ =	swait.ge [sflag:s21], $0x4000  }
0xa0: {  	[sflag:s21] =	ssyncset.done $0x0  }
0xa1: {  	[sflag:s21] =	ssyncadd.s32 $0xFFFFC000  }
0xa2: {  	[spmem:s1] =	stream.indirect.scatter.add.f32 [tilespmem:s16], [sflag:$0x3], $0x80, s23, s19, $0xb8;
	[tilespmem:$0x1E800] =	vst v63  }
0xa3: {  	_ =	swait.ge [sflag:s17], $0x4000  }
0xa4: {  	[sflag:s17] =	ssyncset.done $0x0  }
0xa5: {  	[sflag:s17] =	ssyncadd.s32 $0xFFFFC000  }
0xa6: {  	_ =	swait.ge [sflag:s22], $0x4000  }
0xa7: {  	[sflag:s22] =	ssyncset.done $0x0  }
0xa8: {  	[sflag:s22] =	ssyncadd.s32 $0xFFFFC000  }
0xa9: {  	[spmem:s1] =	stream.indirect.scatter.add.f32 [tilespmem:s20], [sflag:$0x3], $0x80, s24, s19, $0xb8;
	[tilespmem:$0x1E800] =	vst v63  }
0xaa: {  	_ =	swait.ge [sflag:s17], $0x4000  }
0xab: {  	s25 =	sshll.u32 s2, $0x6;
	s3 =	sadd.s32 $0x1, s3;
	[sflag:s17] =	ssyncset.done $0x0  }
0xac: {  	s31 =	sshrl.u32 s5, $0x3;
	p0 =	sne.s32 s3, s11;
	[sflag:s17] =	ssyncadd.s32 $0xFFFFC000  }
.Ltmp3:
0xad: {  	s25 =	sor.u32 $0x1C03, s25;
	[bflag:$0x0] =	sbarrier.arrive $0xFFFF;
	(pc) =	sbr.rel @p0 .LBB2_1-.Ltmp3, $4  }
0xae: {  	[hbm:s10], [sflag:s25] =	dma.local [spmem:s31], $0x2800  }
0xaf: {  	_ =	swait.ge [sflag:s17], $0x2800  }
0xb0: {  	[sflag:s17] =	ssyncset.done $0x0  }
0xb1: {  	[sflag:s17] =	ssyncadd.s32 $0xFFFFD800  }
0xb2: {  	_ =	sfence.sel $0x180000  }
0xb3: {  	[bflag:$0x0] =	sbarrier.arrive $0xFFFF  }
0xb4: {  	p0 =	sne.s32 s2, $0x0;
	_ =	strace $0x9000004A  }
0xb5: {  	s0 =	sadd.s32 @!p0 $0x100000, s0;
	[bflag:$0x2] =	sbarrier.arrive $0xFFFF  }
0xb6: {  	[sflag:s0] =	ssyncadd.tile.s32 @!p0 $0x1;
	_ =	shalt  }
.Lfunc_end2:
_tile_overlayer_lowered:
.L_overlay_start_2:
0xb7: {  	(tag) =	ssettag $0x2  }
0xb8: {  	s0 =	rddreg [dreg:$0x0];
	s2 =	stileid.u32  }
0xb9: {  	s1 =	rddreg [dreg:$0x1];
	p0 =	sne.s32 s2, $0x0  }
0xba: {  	s3 =	rddreg [dreg:$0x2];
	[bflag:$0x3] =	sbarrier.arrive $0xFFFF;
	s2 =	simm.s32 @!p0 $0x1C03  }
0xbb: {  	[timem:s3], [sflag:s2] =	dma.local @!p0 [hbm:s0], s1  }
0xbc: {  	s0 =	simm.s32 @!p0 $0x3  }
0xbd: {  	_ =	swait.ge @!p0 [sflag:s0], s1  }
0xbe: {  	s1 =	ssub.s32 @!p0 $0x0, s1;
	[sflag:s0] =	ssyncset.done @!p0 $0x0  }
0xbf: {  	[sflag:s0] =	ssyncadd.s32 @!p0 s1  }
0xc0: {  	[bflag:$0x3] =	sbarrier.arrive $0xFFFF  }
0xc1: {  	_ =	shalt  }

// kernel: kernel.16.cloned.1.call-start
scs
__scs_entry_jumppad:
0x0: {  	(pc) =	sbr.rel $0x88, $3  }
0x1: {  	(tag) =	ssettag $0x0;
	lr =	simm.s32 $0x1  }
0x2: {  	[smem:$0x3F9B] =	sst lr;
	_ =	strace $0xD0000000  }
0x3: {  	_ = 	snop  }
0x4: {  	_ = 	snop  }
0x5: {  	_ = 	snop  }
0x6: {  	_ = 	snop  }
0x7: {  	_ = 	snop  }
__scs_overlays_trampoline_lowered:
0x8: {  	[smem:$0x3FAA] =	sst s0  }
0x9: {  	[smem:$0x3FAB] =	sst s1  }
0xa: {  	[smem:$0x3FAC] =	sst s2  }
0xb: {  	[smem:$0x3FAD] =	sst s3  }
0xc: {  	[smem:$0x3FAE] =	sst s4  }
0xd: {  	[smem:$0x3FAF] =	sst s5  }
0xe: {  	[smem:$0x3FB0] =	sst s6  }
0xf: {  	[smem:$0x3FB1] =	sst s7  }
0x10: {  	[smem:$0x3FB2] =	sst s8  }
0x11: {  	[smem:$0x3FB3] =	sst s9;
	s0 =	simm.s32 @!p0 $0x0  }
0x12: {  	s1 =	sld [smem:$0x3F99];
	s0 =	simm.s32 @p0 $0x1  }
0x13: {  	[smem:$0x3FB4] =	sst s0;
	s0 =	simm.s32 @!p1 $0x0  }
0x14: {  	s2 =	sld [smem:$0x3F98];
	s0 =	simm.s32 @p1 $0x1  }
0x15: {  	[smem:$0x3FB5] =	sst s0;
	s0 =	simm.s32 @!p2 $0x0  }
0x16: {  	s3 =	sld [smem:$0x3FDB];
	s0 =	simm.s32 @p2 $0x1  }
0x17: {  	s4 =	simm.s32 $0x1BF5;
	[smem:$0x3FB7] =	sst s0  }
0x18: {  	s0 =	sld [smem:$0x3F9A];
	_ =	swait.ge [sflag:s4], $0x0  }
0x19: {  	s7 =	sld [smem:$0x3F9B]  }
0x1a: {  	s8 =	sadd.s32 $0xFFFFE003, lr  }
0x1b: {  	s9 =	sadd.s32 $0xFFFFFEF7, lr;
	s5 =	simm.s32 $0xFFFFFFFF;
	p2 =	slt.u32 s8, $0xFFFFF086  }
0x1c: {  	p1 =	slt.u32 s9, $0xF7A;
	s5 =	simm.s32 @!p2 $0x0  }
0x1d: {  	s5 =	simm.s32 @p1 $0x1;
	p0 =	seq.s32 s7, s2  }
0x1e: {  	s7 =	smul.u32 @!p0 $0xF7A, s2;
	p2 =	seq.s32 @!p0 s5, $0x0  }
0x1f: {  	s9 =	smul.u32 $0xF7A, s1;
	s8 =	simm.s32 @!p0 $0x1BF5;
	p2 =	por !p2, p0  }
0x20: {  	[sflag:s8] =	ssyncset.s32 @!p0 $0xFFFFF086;
	s6 =	sadd.s32 @!p0 s3, s7;
	s7 =	simm.s32 @!p0 $0x108  }
0x21: {  	s3 =	sadd.s32 s3, s9;
	s6 =	sadd.s32 @!p0 $0x88, s6;
	s7 =	simm.s32 @p2 $0x1082  }
0x22: {  	[simem:s7], [sflag:s8] =	dma.local @!p0 [hbm:s6], $0xF7A  }
0x23: {  	s9 =	sor.u32 $0xD0000000, s2;
	s6 =	simm.s32 $0x108;
	_ =	swait.ge @!p0 [sflag:s8], $0x0  }
0x24: {  	s3 =	sadd.s32 $0x88, s3;
	s6 =	simm.s32 @!p1 $0x1082;
	[sflag:s4] =	ssyncset.s32 $0xFFFFF086  }
0x25: {  	[simem:s6], [sflag:s4] =	dma.local [hbm:s3], $0xF7A  }
0x26: {  	[smem:$0x3F9B] =	sst s1;
	(tag) =	ssettag s2;
	_ =	strace s9  }
0x27: {  	s1 =	sld [smem:$0x3FAB]  }
0x28: {  	s2 =	sld [smem:$0x3FAC]  }
0x29: {  	s4 =	sld [smem:$0x3FAE]  }
0x2a: {  	p0 =	seq.s32 s5, $0x0;
	s5 =	sld [smem:$0x3FAF]  }
0x2b: {  	s6 =	sld [smem:$0x3FB0]  }
0x2c: {  	s7 =	sld [smem:$0x3FB1]  }
0x2d: {  	s3 =	simm.s32 $0x108;
	s8 =	sld [smem:$0x3FB2]  }
0x2e: {  	s3 =	simm.s32 @!p0 $0x1082;
	s9 =	sld [smem:$0x3FB3]  }
0x2f: {  	lr =	sadd.s32 s0, s3;
	s0 =	sld [smem:$0x3FAA]  }
0x30: {  	s3 =	sld [smem:$0x3FAD]  }
0x31: {  	[smem:$0x3FB6] =	sst s10  }
0x32: {  	s10 =	sld [smem:$0x3FB4];
	_ =	sdelay $0x3  }
0x33: {  	p0 =	seq.s32 s10, $0x1;
	s10 =	sld [smem:$0x3FB6];
	_ =	sdelay $0x3  }
0x34: {  	[smem:$0x3FB6] =	sst s10  }
0x35: {  	s10 =	sld [smem:$0x3FB5];
	_ =	sdelay $0x3  }
0x36: {  	p1 =	seq.s32 s10, $0x1;
	s10 =	sld [smem:$0x3FB6];
	_ =	sdelay $0x3  }
0x37: {  	[smem:$0x3FB6] =	sst s10  }
0x38: {  	s10 =	sld [smem:$0x3FB7]  }
0x39: {  	_ = 	snop;
	(pc) =	sbr.ind lr, $3  }
0x3a: {  	_ = 	snop  }
0x3b: {  	_ = 	snop  }
0x3c: {  	p2 =	seq.s32 s10, $0x1;
	s10 =	sld [smem:$0x3FB6]  }
0x3d: {  	_ =	shalt  }
0x3e: {  	_ =	shalt  }
0x3f: {  	_ =	shalt  }
0x40: {  	_ =	shalt  }
0x41: {  	_ =	shalt  }
0x42: {  	_ =	shalt  }
0x43: {  	_ =	shalt  }
0x44: {  	_ =	shalt  }
0x45: {  	_ =	shalt  }
0x46: {  	_ =	shalt  }
0x47: {  	_ =	shalt  }
0x48: {  	_ =	shalt  }
0x49: {  	_ =	shalt  }
0x4a: {  	_ =	shalt  }
0x4b: {  	_ =	shalt  }
0x4c: {  	_ =	shalt  }
0x4d: {  	_ =	shalt  }
0x4e: {  	_ =	shalt  }
0x4f: {  	_ =	shalt  }
0x50: {  	_ =	shalt  }
0x51: {  	_ =	shalt  }
0x52: {  	_ =	shalt  }
0x53: {  	_ =	shalt  }
0x54: {  	_ =	shalt  }
0x55: {  	_ =	shalt  }
0x56: {  	_ =	shalt  }
0x57: {  	_ =	shalt  }
0x58: {  	_ =	shalt  }
0x59: {  	_ =	shalt  }
0x5a: {  	_ =	shalt  }
0x5b: {  	_ =	shalt  }
0x5c: {  	_ =	shalt  }
0x5d: {  	_ =	shalt  }
0x5e: {  	_ =	shalt  }
0x5f: {  	_ =	shalt  }
0x60: {  	_ =	shalt  }
0x61: {  	_ =	shalt  }
0x62: {  	_ =	shalt  }
0x63: {  	_ =	shalt  }
0x64: {  	_ =	shalt  }
0x65: {  	_ =	shalt  }
0x66: {  	_ =	shalt  }
0x67: {  	_ =	shalt  }
0x68: {  	_ =	shalt  }
0x69: {  	_ =	shalt  }
0x6a: {  	_ =	shalt  }
0x6b: {  	_ =	shalt  }
0x6c: {  	_ =	shalt  }
0x6d: {  	_ =	shalt  }
0x6e: {  	_ =	shalt  }
0x6f: {  	_ =	shalt  }
0x70: {  	_ =	shalt  }
0x71: {  	_ =	shalt  }
0x72: {  	_ =	shalt  }
0x73: {  	_ =	shalt  }
0x74: {  	_ =	shalt  }
0x75: {  	_ =	shalt  }
0x76: {  	_ =	shalt  }
0x77: {  	_ =	shalt  }
0x78: {  	_ =	shalt  }
0x79: {  	_ =	shalt  }
0x7a: {  	_ =	shalt  }
0x7b: {  	_ =	shalt  }
0x7c: {  	_ =	shalt  }
0x7d: {  	_ =	shalt  }
0x7e: {  	_ =	shalt  }
0x7f: {  	_ =	shalt  }
0x80: {  	_ =	shalt  }
0x81: {  	_ =	shalt  }
0x82: {  	_ =	shalt  }
0x83: {  	_ =	shalt  }
0x84: {  	_ =	shalt  }
0x85: {  	_ =	shalt  }
0x86: {  	_ =	shalt  }
0x87: {  	_ =	shalt  }
.Lfunc_end0:
.L_simem_size_0:
called_computation.2_lowered:
.L_overlay_start_0:
0x88: {  	s2 =	sld [smem:$0x3FD9]  }
0x89: {  	s3 =	sld [smem:$0x3FFE];
	_ =	sdelay $0x1  }
0x8a: {  	s1 =	srdreg.scid  }
0x8b: {  	s0 =	sand.u32 $0x1, s1  }
0x8c: {  	s17 =	sshll.u32 s0, $0xA;
	s2 =	sadd.s32 s3, s2  }
0x8d: {  	s2 =	sadd.s32 s2, s17  }
0x8e: {  	[smem:$0x3FC2] =	sst s2  }
0x8f: {  	_ = 	snop  }
0x90: {  	s2 =	sld [smem:$0x3FD0];
	(tm) =	ssettm $0x1  }
0x91: {  	s18 =	sld [smem:$0x3FFB];
	_ =	sdelay $0x3  }
0x92: {  	_ =	strace s18  }
0x93: {  	s3 =	sld [smem:$0x3FFC];
	_ =	sdelay $0x3  }
0x94: {  	_ =	strace s3  }
0x95: {  	s3 =	sld [smem:$0x3FFD];
	_ =	sdelay $0x3  }
0x96: {  	_ =	strace s3  }
0x97: {  	_ =	strace $0x8FFFFFFF  }
0x98: {  	s19 =	sld [smem:$0x3FDB];
	_ =	sdelay $0x1  }
0x99: {  	s4 =	simm.s32 $_scs_section_size  }
0x9a: {  	s5 =	simm.s32 $_size__tile_overlayer_lowered;
	s6 =	simm.s32 $_tile_overlayer_lowered  }
0x9b: {  	s22 =	simm.s32 $0x1BFF;
	s21 =	sshll.u32 s6, $0x1;
	s3 =	sadd.s32 s4, s19  }
0x9c: {  	s7 =	simm.s32 $0x0;
	s20 =	sshll.u32 s5, $0x1;
	s5 =	sadd.s32 s21, s3  }
0x9d: {  	[timem:s7], [sflag:s22] =	dma.local [hbm:s5], s20  }
0x9e: {  	_ =	swait.ge [sflag:s22], s20  }
0x9f: {  	s4 =	ssub.s32 $0x0, s20;
	[sflag:s22] =	ssyncset.done $0x0  }
0xa0: {  	[sflag:s22] =	ssyncadd.s32 s4;
	_ =	sdelay $0x1  }
0xa1: {  	s23 =	simm.s32 $0x1B8B  }
0xa2: {  	_ =	swait.ge [sflag:s23], $0x1  }
0xa3: {  	[sflag:s23] =	ssyncset.done $0x0  }
0xa4: {  	s25 =	simm.s32 $0x1B8E;
	s24 =	sld [smem:$0x3FFE];
	[sflag:s23] =	ssyncadd.s32 $0xFFFFFFFF  }
0xa5: {  	s26 =	simm.s32 $execute0_lowered;
	[smem:$0x3FD2] =	sst s25  }
0xa6: {  	s5 =	sshll.u32 s26, $0x1;
	_ =	strace $0x8000004C;
	[dreg:$0x1] =	wrdreg $0xFFFFFFFF  }
0xa7: {  	s28 =	simm.s32 $_size_execute0_lowered;
	s3 =	sadd.s32 s3, s5;
	[dreg:$0x0] =	wrdreg $0x0  }
0xa8: {  	s5 =	sshll.u32 s28, $0x1;
	[dreg:$0x2] =	wrdreg s3  }
0xa9: {  	[dreg:$0x3] =	wrdreg s5  }
0xaa: {  	[dreg:$0x4] =	wrdreg $0xC0  }
0xab: {  	_ =	task [dreg:s7], $0x5FFFF  }
0xac: {  	[dreg:$0x1] =	wrdreg $0xFFFFFFFF  }
0xad: {  	[dreg:$0x0] =	wrdreg $0x60  }
0xae: {  	[dreg:$0x2] =	wrdreg s24  }
0xaf: {  	[dreg:$0x3] =	wrdreg s2  }
0xb0: {  	[dreg:$0x4] =	wrdreg $0xD0000  }
0xb1: {  	[dreg:$0x5] =	wrdreg $0x9  }
0xb2: {  	_ =	task.clear_ibuf [dreg:s7], $0x6FFFF;
	_ =	strace $0x9000004C  }
0xb3: {  	s29 =	simm.s32 $0x9;
	_ =	strace $0x8000004E  }
0xb4: {  	_ =	swait.ge [sflag:s29], $0x1  }
0xb5: {  	[sflag:s29] =	ssyncadd.s32 $0xFFFFFFFF  }
0xb6: {  	_ =	strace $0x9000004E  }
0xb7: {  	_ =	sfence  }
0xb8: {  	s30 =	sld [smem:$0x0];
	_ =	sdelay $0x2  }
0xb9: {  	s31 =	sshll.u32 s1, $0xD;
	s1 =	sshrl.u32 s1, $0x2  }
0xba: {  	s3 =	sand.u32 $0x4000, s31;
	s1 =	sadd.s32 s1, s30  }
0xbb: {  	s0 =	sor.u32 s3, s0;
	s1 =	sshll.u32 s1, $0x11  }
0xbc: {  	s0 =	sor.u32 s1, s0  }
0xbd: {  	s0 =	sadd.s32 $0x8F2B, s0  }
0xbe: {  	[sflag:s0] =	ssyncadd.remote.s32 $0x1  }
0xbf: {  	_ =	sfence.sel $0xFFFF  }
0xc0: {  	[dreg:$0x0] =	wrdreg $0xFFFFFFFF;
	(pc) =	sbr.abs _section_cstart, $3  }
0xc1: {  	[dreg:$0x1] =	wrdreg $0xFFFFFFFF  }
0xc2: {  	_ =	task.clear_ibuf [dreg:s7], $0x2FFFF;
	_ =	strace $0x9FFFFFFF  }
0xc3: {  	(tm) =	ssettm $0x7FFFFFFF  }
tec
execute0_lowered:
.L_overlay_start_1:
0x0: {  	(tag) =	ssettag $0x1  }
0x1: {  	s0 =	srdreg.scid;
	s1 =	rddreg [dreg:$0x0]  }
0x2: {  	s9 =	stileid.u32;
	s7 =	rddreg [dreg:$0x1]  }
0x3: {  	s14 =	simm.s32 $0x5000;
	s15 =	simm.s32 $0x5;
	s17 =	simm.s32 $0x80  }
0x4: {  	s18 =	simm.s32 $0x7000;
	s20 =	simm.s32 $0x9000;
	s22 =	simm.s32 $0xB000  }
0x5: {  	s23 =	simm.s32 $0x1;
	s24 =	simm.s32 $0x2;
	s25 =	simm.s32 $0x3  }
0x6: {  	s28 =	simm.s32 $0x4E00;
	s29 =	simm.s32 $0x4E80;
	s30 =	simm.s32 $0x4F00  }
0x7: {  	s31 =	simm.s32 $0x4F80;
	s0 =	sand.u32 $0x1, s0;
	s6 =	smul.u32 $0x14000, s9  }
0x8: {  	s2 =	sshll.u32 s9, $0x1;
	s4 =	sadd.s32 $0xCA00, s1;
	s9 =	smul.u32 $0x28000, s9  }
0x9: {  	s3 =	sor.u32 s0, s2;
	s2 =	rddreg [dreg:$0x2];
	s5 =	smul.u32 $0x140000, s0  }
0xa: {  	s0 =	ssub.s32 $0x2, s0;
	s8 =	smul.u32 $0x500, s3;
	s3 =	simm.s32 $0x0  }
0xb: {  	s26 =	sshrl.u32 s0, $0x1;
	s9 =	sshrl.u32 s9, $0x2;
	[smem:$0x7FF] =	sst s3  }
0xc: {  	s5 =	sadd.s32 s6, s5;
	s0 =	ssub.s32 s0, s26;
	s26 =	simm.s32 $0x4  }
0xd: {  	_ =	strace $0x8000004D;
	s10 =	sadd.s32 s8, s1;
	s5 =	sshrl.u32 s5, $0x3  }
0xe: {  	s7 =	sadd.s32 s7, s8;
	s1 =	sadd.s32 s5, s1;
	s5 =	sadd.s32 s9, s2  }
0xf: {  	s6 =	sadd.s32 $0x2A00, s10;
	s9 =	smax.u32 s0, $0x1;
	s0 =	simm.s32 $0x8  }
0x10: {  	s8 =	sadd.s32 $0x20A00, s1;
	s10 =	sadd.s32 $0x2000, s5;
	s11 =	sadd.s32 $0x4000, s5  }
0x11: {  	v0 =	vimm.f32 $0.0e+00;
	s12 =	sadd.s32 $0x6000, s5;
	s13 =	sadd.s32 $0x8000, s5;
	s1 =	simm.s32 $0x10  }
.LBB2_1:
0x12: {  	s19 =	simm.s32 $0x100;
	s16 =	simm.s32 $0x0  }
.LBB2_2:
0x13: {  	p0 =	sne.s32 s19, $0x7F00;
	[tilespmem:s16+$0x5030] =	vst v0;
	s21 =	smov.u32 s19;
	s19 =	sadd.s32 $0x100, s19  }
.Ltmp0:
0x14: {  	[tilespmem:s16+$0x5020] =	vst v0;
	(pc) =	sbr.rel @p0 .LBB2_2-.Ltmp0, $3  }
0x15: {  	[tilespmem:s16+$0x5000] =	vst v0  }
0x16: {  	[tilespmem:s16+$0x5010] =	vst v0;
	_ =	sdelay $0x1  }
0x17: {  	s16 =	sshra.s32 s21, $0x2  }
0x18: {  	[tilespmem:s16+$0x5030] =	vst v0  }
0x19: {  	[tilespmem:s16+$0x5020] =	vst v0  }
0x1a: {  	[tilespmem:s16+$0x5000] =	vst v0  }
0x1b: {  	[tilespmem:s16+$0x5010] =	vst v0  }
0x1c: {  	[spmem:s5] =	stream.linear.scatter [tilespmem:s14], [sflag:$0x5], $0x2000, $0x38;
	[tilespmem:$0x17000] =	vst v63  }
0x1d: {  	_ =	swait.ge [sflag:s15], $0x2000  }
0x1e: {  	[sflag:s15] =	ssyncset.done $0x0  }
0x1f: {  	[sflag:s15] =	ssyncadd.s32 $0xFFFFE000  }
0x20: {  	[spmem:s10] =	stream.linear.scatter [tilespmem:s14], [sflag:$0x5], $0x2000, $0x38;
	[tilespmem:$0x17000] =	vst v63  }
0x21: {  	_ =	swait.ge [sflag:s15], $0x2000  }
0x22: {  	[sflag:s15] =	ssyncset.done $0x0  }
0x23: {  	[sflag:s15] =	ssyncadd.s32 $0xFFFFE000  }
0x24: {  	[spmem:s11] =	stream.linear.scatter [tilespmem:s14], [sflag:$0x5], $0x2000, $0x38;
	[tilespmem:$0x17000] =	vst v63  }
0x25: {  	_ =	swait.ge [sflag:s15], $0x2000  }
0x26: {  	[sflag:s15] =	ssyncset.done $0x0  }
0x27: {  	[sflag:s15] =	ssyncadd.s32 $0xFFFFE000  }
0x28: {  	[spmem:s12] =	stream.linear.scatter [tilespmem:s14], [sflag:$0x5], $0x2000, $0x38;
	[tilespmem:$0x17000] =	vst v63  }
0x29: {  	_ =	swait.ge [sflag:s15], $0x2000  }
0x2a: {  	[sflag:s15] =	ssyncset.done $0x0  }
0x2b: {  	[sflag:s15] =	ssyncadd.s32 $0xFFFFE000  }
0x2c: {  	[spmem:s13] =	stream.linear.scatter [tilespmem:s14], [sflag:$0x5], $0x2000, $0x38;
	[tilespmem:$0x17000] =	vst v63  }
0x2d: {  	_ =	swait.ge [sflag:s15], $0x2000  }
0x2e: {  	[sflag:s15] =	ssyncset.done $0x0  }
0x2f: {  	[sflag:s15] =	ssyncadd.s32 $0xFFFFE000  }
0x30: {  	s21 =	simm.s32 $0x0;
	[bflag:$0x0] =	sbarrier.arrive $0xFFFF  }
0x31: {  	[tilespmem:s21], [sflag:$0x5] =	stream.linear.gather [hbm4b:s6+s21], $0x2800, $0x38;
	[tilespmem:$0x17000] =	vst v63  }
0x32: {  	_ =	swait.ge [sflag:s15], $0x2800  }
0x33: {  	[sflag:s15] =	ssyncset.done $0x0  }
0x34: {  	s19 =	simm.s32 $0x2800;
	[sflag:s15] =	ssyncadd.s32 $0xFFFFD800  }
0x35: {  	[tilespmem:s19], [sflag:$0x5] =	stream.linear.gather [hbm4b:s7+s21], $0x2800, $0x38;
	[tilespmem:$0x17000] =	vst v63  }
0x36: {  	_ =	swait.ge [sflag:s15], $0x2800  }
0x37: {  	[sflag:s15] =	ssyncset.done $0x0  }
0x38: {  	[sflag:s15] =	ssyncadd.s32 $0xFFFFD800  }
0x39: {  	[tilespmem:s14], [sflag:$0x1] =	stream.indirect.gather [hbm4b:s4+s17], $0x40, s21, s17, $0xb8;
	[tilespmem:$0x17000] =	vst v63  }
0x3a: {  	_ = 	snop  }
0x3b: {  	[tilespmem:s18], [sflag:$0x2] =	stream.indirect.gather [hbm4b:s4+s17], $0x40, s17, s17, $0xb8;
	[tilespmem:$0x17000] =	vst v63  }
0x3c: {  	s21 =	simm.s32 $0x100  }
0x3d: {  	[tilespmem:s20], [sflag:$0x3] =	stream.indirect.gather [hbm4b:s4+s17], $0x40, s21, s17, $0xb8;
	[tilespmem:$0x17000] =	vst v63  }
0x3e: {  	s19 =	simm.s32 $0x180  }
0x3f: {  	[tilespmem:s22], [sflag:$0x4] =	stream.indirect.gather [hbm4b:s4+s17], $0x40, s19, s17, $0xb8;
	[tilespmem:$0x17000] =	vst v63  }
0x40: {  	_ =	swait.ge [sflag:s23], $0x2000  }
0x41: {  	[sflag:s23] =	ssyncset.done $0x0  }
0x42: {  	s21 =	simm.s32 $0x2800;
	[sflag:s23] =	ssyncadd.s32 $0xFFFFE000  }
0x43: {  	[spmem:s2] =	stream.indirect.scatter.add.f32 [tilespmem:s14], [sflag:$0x5], $0x40, s21, s17, $0xb8;
	[tilespmem:$0x17000] =	vst v63  }
0x44: {  	_ =	swait.ge [sflag:s15], $0x2000  }
0x45: {  	[sflag:s15] =	ssyncset.done $0x0  }
0x46: {  	s19 =	simm.s32 $0x200;
	[sflag:s15] =	ssyncadd.s32 $0xFFFFE000  }
0x47: {  	[tilespmem:s14], [sflag:$0x1] =	stream.indirect.gather [hbm4b:s4+s17], $0x40, s19, s17, $0xb8;
	[tilespmem:$0x17000] =	vst v63  }
0x48: {  	_ =	swait.ge [sflag:s24], $0x2000  }
0x49: {  	[sflag:s24] =	ssyncset.done $0x0  }
0x4a: {  	s21 =	simm.s32 $0x2880;
	[sflag:s24] =	ssyncadd.s32 $0xFFFFE000  }
0x4b: {  	[spmem:s2] =	stream.indirect.scatter.add.f32 [tilespmem:s18], [sflag:$0x5], $0x40, s21, s17, $0xb8;
	[tilespmem:$0x17000] =	vst v63  }
0x4c: {  	_ =	swait.ge [sflag:s15], $0x2000  }
0x4d: {  	[sflag:s15] =	ssyncset.done $0x0  }
0x4e: {  	s19 =	simm.s32 $0x280;
	[sflag:s15] =	ssyncadd.s32 $0xFFFFE000  }
0x4f: {  	[tilespmem:s18], [sflag:$0x2] =	stream.indirect.gather [hbm4b:s4+s17], $0x40, s19, s17, $0xb8;
	[tilespmem:$0x17000] =	vst v63  }
0x50: {  	_ =	swait.ge [sflag:s25], $0x2000  }
0x51: {  	[sflag:s25] =	ssyncset.done $0x0  }
0x52: {  	s21 =	simm.s32 $0x2900;
	[sflag:s25] =	ssyncadd.s32 $0xFFFFE000  }
0x53: {  	[spmem:s2] =	stream.indirect.scatter.add.f32 [tilespmem:s20], [sflag:$0x5], $0x40, s21, s17, $0xb8;
	[tilespmem:$0x17000] =	vst v63  }
0x54: {  	_ =	swait.ge [sflag:s15], $0x2000  }
0x55: {  	[sflag:s15] =	ssyncset.done $0x0  }
0x56: {  	s19 =	simm.s32 $0x300;
	[sflag:s15] =	ssyncadd.s32 $0xFFFFE000  }
0x57: {  	[tilespmem:s20], [sflag:$0x3] =	stream.indirect.gather [hbm4b:s4+s17], $0x40, s19, s17, $0xb8;
	[tilespmem:$0x17000] =	vst v63  }
0x58: {  	_ =	swait.ge [sflag:s26], $0x2000  }
0x59: {  	[sflag:s26] =	ssyncset.done $0x0  }
0x5a: {  	s21 =	simm.s32 $0x2980;
	[sflag:s26] =	ssyncadd.s32 $0xFFFFE000  }
0x5b: {  	[spmem:s2] =	stream.indirect.scatter.add.f32 [tilespmem:s22], [sflag:$0x5], $0x40, s21, s17, $0xb8;
	[tilespmem:$0x17000] =	vst v63  }
0x5c: {  	_ =	swait.ge [sflag:s15], $0x2000  }
0x5d: {  	[sflag:s15] =	ssyncset.done $0x0  }
0x5e: {  	s16 =	simm.s32 $0x800;
	s19 =	simm.s32 $0x380;
	[sflag:s15] =	ssyncadd.s32 $0xFFFFE000  }
.LBB2_4:
0x5f: {  	[tilespmem:s22], [sflag:$0x4] =	stream.indirect.gather [hbm4b:s4+s17], $0x40, s19, s17, $0xb8;
	[tilespmem:$0x17000] =	vst v63  }
0x60: {  	s19 =	smov.u32 s16  }
0x61: {  	p0 =	sne.s32 s16, $0x9000;
	s16 =	sadd.s32 $0x800, s16;
	_ =	swait.ge [sflag:s23], $0x2000  }
0x62: {  	s19 =	sshra.s32 s19, $0x2;
	[sflag:s23] =	ssyncset.done $0x0  }
0x63: {  	s21 =	sadd.s32 $0x2800, s19;
	[sflag:s23] =	ssyncadd.s32 $0xFFFFE000  }
0x64: {  	[spmem:s2] =	stream.indirect.scatter.add.f32 [tilespmem:s14], [sflag:$0x5], $0x40, s21, s17, $0xb8;
	[tilespmem:$0x17000] =	vst v63  }
0x65: {  	_ =	swait.ge [sflag:s15], $0x2000  }
0x66: {  	[sflag:s15] =	ssyncset.done $0x0  }
0x67: {  	s21 =	sadd.s32 $0x200, s19;
	[sflag:s15] =	ssyncadd.s32 $0xFFFFE000  }
0x68: {  	[tilespmem:s14], [sflag:$0x1] =	stream.indirect.gather [hbm4b:s4+s17], $0x40, s21, s17, $0xb8;
	[tilespmem:$0x17000] =	vst v63  }
0x69: {  	_ =	swait.ge [sflag:s24], $0x2000  }
0x6a: {  	[sflag:s24] =	ssyncset.done $0x0  }
0x6b: {  	s21 =	sadd.s32 $0x2880, s19;
	[sflag:s24] =	ssyncadd.s32 $0xFFFFE000  }
0x6c: {  	[spmem:s2] =	stream.indirect.scatter.add.f32 [tilespmem:s18], [sflag:$0x5], $0x40, s21, s17, $0xb8;
	[tilespmem:$0x17000] =	vst v63  }
0x6d: {  	_ =	swait.ge [sflag:s15], $0x2000  }
0x6e: {  	[sflag:s15] =	ssyncset.done $0x0  }
0x6f: {  	s21 =	sadd.s32 $0x280, s19;
	[sflag:s15] =	ssyncadd.s32 $0xFFFFE000  }
0x70: {  	[tilespmem:s18], [sflag:$0x2] =	stream.indirect.gather [hbm4b:s4+s17], $0x40, s21, s17, $0xb8;
	[tilespmem:$0x17000] =	vst v63  }
0x71: {  	_ =	swait.ge [sflag:s25], $0x2000  }
0x72: {  	[sflag:s25] =	ssyncset.done $0x0  }
0x73: {  	s21 =	sadd.s32 $0x2900, s19;
	[sflag:s25] =	ssyncadd.s32 $0xFFFFE000  }
0x74: {  	[spmem:s2] =	stream.indirect.scatter.add.f32 [tilespmem:s20], [sflag:$0x5], $0x40, s21, s17, $0xb8;
	[tilespmem:$0x17000] =	vst v63  }
0x75: {  	_ =	swait.ge [sflag:s15], $0x2000  }
0x76: {  	[sflag:s15] =	ssyncset.done $0x0  }
0x77: {  	s21 =	sadd.s32 $0x300, s19;
	[sflag:s15] =	ssyncadd.s32 $0xFFFFE000  }
0x78: {  	[tilespmem:s20], [sflag:$0x3] =	stream.indirect.gather [hbm4b:s4+s17], $0x40, s21, s17, $0xb8;
	[tilespmem:$0x17000] =	vst v63  }
0x79: {  	_ =	swait.ge [sflag:s26], $0x2000  }
0x7a: {  	[sflag:s26] =	ssyncset.done $0x0  }
.Ltmp1:
0x7b: {  	s21 =	sadd.s32 $0x2980, s19;
	[sflag:s26] =	ssyncadd.s32 $0xFFFFE000;
	(pc) =	sbr.rel @p0 .LBB2_4-.Ltmp1, $4  }
0x7c: {  	[spmem:s2] =	stream.indirect.scatter.add.f32 [tilespmem:s22], [sflag:$0x5], $0x40, s21, s17, $0xb8;
	[tilespmem:$0x17000] =	vst v63  }
0x7d: {  	_ =	swait.ge [sflag:s15], $0x2000  }
0x7e: {  	[sflag:s15] =	ssyncset.done $0x0  }
0x7f: {  	s19 =	sadd.s32 $0x380, s19;
	[sflag:s15] =	ssyncadd.s32 $0xFFFFE000  }
0x80: {  	[tilespmem:s22], [sflag:$0x4] =	stream.indirect.gather [hbm4b:s4+s17], $0x40, s19, s17, $0xb8;
	[tilespmem:$0x17000] =	vst v63  }
0x81: {  	_ =	swait.ge [sflag:s23], $0x2000  }
0x82: {  	[sflag:s23] =	ssyncset.done $0x0  }
0x83: {  	[sflag:s23] =	ssyncadd.s32 $0xFFFFE000  }
0x84: {  	[spmem:s2] =	stream.indirect.scatter.add.f32 [tilespmem:s14], [sflag:$0x5], $0x40, s28, s17, $0xb8;
	[tilespmem:$0x17000] =	vst v63  }
0x85: {  	_ =	swait.ge [sflag:s15], $0x2000  }
0x86: {  	[sflag:s15] =	ssyncset.done $0x0  }
0x87: {  	[sflag:s15] =	ssyncadd.s32 $0xFFFFE000  }
0x88: {  	_ =	swait.ge [sflag:s24], $0x2000  }
0x89: {  	[sflag:s24] =	ssyncset.done $0x0  }
0x8a: {  	[sflag:s24] =	ssyncadd.s32 $0xFFFFE000  }
0x8b: {  	[spmem:s2] =	stream.indirect.scatter.add.f32 [tilespmem:s18], [sflag:$0x5], $0x40, s29, s17, $0xb8;
	[tilespmem:$0x17000] =	vst v63  }
0x8c: {  	_ =	swait.ge [sflag:s15], $0x2000  }
0x8d: {  	[sflag:s15] =	ssyncset.done $0x0  }
0x8e: {  	[sflag:s15] =	ssyncadd.s32 $0xFFFFE000  }
0x8f: {  	_ =	swait.ge [sflag:s25], $0x2000  }
0x90: {  	[sflag:s25] =	ssyncset.done $0x0  }
0x91: {  	[sflag:s25] =	ssyncadd.s32 $0xFFFFE000  }
0x92: {  	[spmem:s2] =	stream.indirect.scatter.add.f32 [tilespmem:s20], [sflag:$0x5], $0x40, s30, s17, $0xb8;
	[tilespmem:$0x17000] =	vst v63  }
0x93: {  	_ =	swait.ge [sflag:s15], $0x2000  }
0x94: {  	[sflag:s15] =	ssyncset.done $0x0  }
0x95: {  	[sflag:s15] =	ssyncadd.s32 $0xFFFFE000  }
0x96: {  	_ =	swait.ge [sflag:s26], $0x2000  }
0x97: {  	[sflag:s26] =	ssyncset.done $0x0  }
0x98: {  	[sflag:s26] =	ssyncadd.s32 $0xFFFFE000  }
0x99: {  	[spmem:s2] =	stream.indirect.scatter.add.f32 [tilespmem:s22], [sflag:$0x5], $0x40, s31, s17, $0xb8;
	[tilespmem:$0x17000] =	vst v63  }
0x9a: {  	s16 =	stileid.u32;
	_ =	swait.ge [sflag:s15], $0x2000  }
0x9b: {  	s21 =	sshrl.u32 s5, $0x3;
	s3 =	sadd.s32 $0x1, s3;
	[sflag:s15] =	ssyncset.done $0x0  }
0x9c: {  	s16 =	sshll.u32 s16, $0x6;
	p0 =	sne.s32 s3, s9;
	[sflag:s15] =	ssyncadd.s32 $0xFFFFE000  }
.Ltmp2:
0x9d: {  	s16 =	sor.u32 $0x1C05, s16;
	[bflag:$0x0] =	sbarrier.arrive $0xFFFF;
	(pc) =	sbr.rel @p0 .LBB2_1-.Ltmp2, $4  }
0x9e: {  	[hbm:s8@s1], [sflag:s16] =	dma.strided [spmem:s21@s0], $0x1400, s23, $0x8   }
0x9f: {  	_ =	swait.ge [sflag:s15], $0x1400  }
0xa0: {  	[sflag:s15] =	ssyncset.done $0x0  }
0xa1: {  	[sflag:s15] =	ssyncadd.s32 $0xFFFFEC00  }
0xa2: {  	_ =	sfence.sel $0x180000  }
0xa3: {  	[bflag:$0x0] =	sbarrier.arrive $0xFFFF  }
0xa4: {  	_ =	strace $0x9000004D  }
0xa5: {  	s0 =	stileid.u32;
	[bflag:$0x2] =	sbarrier.arrive $0xFFFF  }
0xa6: {  	p0 =	sne.s32 s0, $0x0;
	s0 =	rddreg [dreg:$0x3]  }
0xa7: {  	s0 =	sadd.s32 @!p0 $0x100000, s0  }
0xa8: {  	[sflag:s0] =	ssyncadd.tile.s32 @!p0 $0x1;
	_ =	shalt  }
.Lfunc_end2:
_tile_overlayer_lowered:
.L_overlay_start_2:
0xa9: {  	(tag) =	ssettag $0x2  }
0xaa: {  	s0 =	rddreg [dreg:$0x0];
	s2 =	stileid.u32  }
0xab: {  	s1 =	rddreg [dreg:$0x1];
	p0 =	sne.s32 s2, $0x0  }
0xac: {  	s3 =	rddreg [dreg:$0x2];
	[bflag:$0x3] =	sbarrier.arrive $0xFFFF;
	s2 =	simm.s32 @!p0 $0x1C05  }
0xad: {  	[timem:s3], [sflag:s2] =	dma.local @!p0 [hbm:s0], s1  }
0xae: {  	s0 =	simm.s32 @!p0 $0x5  }
0xaf: {  	_ =	swait.ge @!p0 [sflag:s0], s1  }
0xb0: {  	s1 =	ssub.s32 @!p0 $0x0, s1;
	[sflag:s0] =	ssyncset.done @!p0 $0x0  }
0xb1: {  	[sflag:s0] =	ssyncadd.s32 @!p0 s1  }
0xb2: {  	[bflag:$0x3] =	sbarrier.arrive $0xFFFF  }
0xb3: {  	_ =	shalt  }

</sc_bundles>
